<compile_context>
chip_gen: v7x
topology: tpu7x:2x2x1
jax: 0.10.2.dev20260603
libtpu: 0.0.44.dev20260713+nightly
codegen_flags: <defaults>
</compile_context>

<pallas_src>
import jax
import jax.numpy as jnp
from jax import lax
from jax.experimental import pallas as pl
from jax.experimental.pallas import tpu as pltpu
from jax.experimental.pallas import tpu_sc as plsc

N = 10000
N_PAD = 10240
D = 256
H = 128
E = 160000
NS = 16
B = 80
EPT = E // NS
ITERS = EPT // B
RPT = N_PAD // NS


def _sc_body(xcat, eboth, zacc, ones,
             agg0, agg1, dg,
             acc_sh, dst0_v, srca0_v, rows0_v, dst1_v, srca1_v,
             rows1_v, ones_v, sem0, sem1):
    c = lax.axis_index("c")
    s = lax.axis_index("s")
    r0 = s * RPT
    ebase = s * EPT

    pltpu.sync_copy(ones, ones_v)

    def _load_idx(r, it, dst_v, srca_v):
        off = ebase + it * B
        pltpu.sync_copy(eboth.at[pl.ds(r * 2 * E + E + off, B)], dst_v)
        pltpu.sync_copy(eboth.at[pl.ds(r * 2 * E + off, B)], srca_v)
        for j in range(B // 16):
            sl = pl.ds(j * 16, 16)
            srca_v[sl] = srca_v[sl] * 2 + c

    for r, a_hbm in ((0, agg0), (1, agg1)):
        pltpu.sync_copy(zacc.at[pl.ds(r0, RPT)], acc_sh.at[pl.ds(r0, RPT)])
        plsc.subcore_barrier()

        _load_idx(r, 0, dst0_v, srca0_v)
        pltpu.async_copy(xcat.at[srca0_v], rows0_v, sem0)

        def _edge_pair(p, _, r=r):
            _load_idx(r, 2 * p + 1, dst1_v, srca1_v)
            pltpu.async_copy(xcat.at[srca1_v], rows1_v, sem1)
            pltpu.make_async_copy(xcat.at[srca0_v], rows0_v, sem0).wait()
            pltpu.sync_copy(rows0_v, acc_sh.at[dst0_v], add=True)

            _load_idx(r, 2 * p + 2, dst0_v, srca0_v)
            pltpu.async_copy(xcat.at[srca0_v], rows0_v, sem0)
            pltpu.make_async_copy(xcat.at[srca1_v], rows1_v, sem1).wait()
            pltpu.sync_copy(rows1_v, acc_sh.at[dst1_v], add=True)
            return ()

        lax.fori_loop(0, (ITERS - 1) // 2, _edge_pair, ())
        pltpu.make_async_copy(xcat.at[srca0_v], rows0_v, sem0).wait()
        pltpu.sync_copy(rows0_v, acc_sh.at[dst0_v], add=True)
        plsc.subcore_barrier()

        pltpu.sync_copy(acc_sh.at[pl.ds(r0, RPT)],
                        a_hbm.at[c, pl.ds(r0, RPT)])
        plsc.subcore_barrier()

    pltpu.sync_copy(zacc.at[pl.ds(r0, RPT)], acc_sh.at[pl.ds(r0, RPT)])
    plsc.subcore_barrier()

    dbase = c * 2 * E + E + ebase

    pltpu.async_copy(eboth.at[pl.ds(dbase, B)], dst0_v, sem0)

    def _deg_pair(p, _):
        pltpu.async_copy(eboth.at[pl.ds(dbase + (2 * p + 1) * B, B)],
                         dst1_v, sem1)
        pltpu.make_async_copy(eboth.at[pl.ds(dbase + 2 * p * B, B)],
                              dst0_v, sem0).wait()
        pltpu.sync_copy(ones_v, acc_sh.at[dst0_v], add=True)

        pltpu.async_copy(eboth.at[pl.ds(dbase + (2 * p + 2) * B, B)],
                         dst0_v, sem0)
        pltpu.make_async_copy(eboth.at[pl.ds(dbase + (2 * p + 1) * B, B)],
                              dst1_v, sem1).wait()
        pltpu.sync_copy(ones_v, acc_sh.at[dst1_v], add=True)
        return ()

    lax.fori_loop(0, (ITERS - 1) // 2, _deg_pair, ())
    pltpu.make_async_copy(eboth.at[pl.ds(dbase + (ITERS - 1) * B, B)],
                          dst0_v, sem0).wait()
    pltpu.sync_copy(ones_v, acc_sh.at[dst0_v], add=True)
    plsc.subcore_barrier()
    pltpu.sync_copy(acc_sh.at[pl.ds(r0, RPT)], dg.at[c, pl.ds(r0, RPT)])


def _sc_aggregate(xcat, eboth):
    zacc = jnp.zeros((N_PAD, H), jnp.float32)
    ones = jnp.ones((B, H), jnp.float32)
    mesh = plsc.VectorSubcoreMesh(core_axis_name="c", subcore_axis_name="s")
    f = pl.kernel(
        _sc_body,
        out_type=(
            jax.ShapeDtypeStruct((2, N_PAD, H), jnp.float32),
            jax.ShapeDtypeStruct((2, N_PAD, H), jnp.float32),
            jax.ShapeDtypeStruct((2, N_PAD, H), jnp.float32),
        ),
        mesh=mesh,
        scratch_types=[
            pltpu.VMEM_SHARED((N_PAD, H), jnp.float32),
            pltpu.VMEM((B,), jnp.int32),
            pltpu.VMEM((B,), jnp.int32),
            pltpu.VMEM((B, H), jnp.float32),
            pltpu.VMEM((B,), jnp.int32),
            pltpu.VMEM((B,), jnp.int32),
            pltpu.VMEM((B, H), jnp.float32),
            pltpu.VMEM((B, H), jnp.float32),
            pltpu.SemaphoreType.DMA,
            pltpu.SemaphoreType.DMA,
        ],
    )
    return f(xcat, eboth, zacc, ones)


def _tc_body(a0, a1, d0, d1, w0, w1, bb0, bb1, o):
    n0 = 1.0 / jnp.maximum(d0[...], 1.0)
    n1 = 1.0 / jnp.maximum(d1[...], 1.0)
    acc = jnp.dot(a0[...] * n0, w0[...], preferred_element_type=jnp.float32)
    acc += jnp.dot(a1[...] * n1, w1[...], preferred_element_type=jnp.float32)
    o[...] = acc + bb0[...] + bb1[...]


def _tc_epilogue(agg0, agg1, deg0, deg1, W0, b0, W1, b1):
    R = 1000
    grid = (N // R,)
    return pl.pallas_call(
        _tc_body,
        grid=grid,
        in_specs=[
            pl.BlockSpec((R, D), lambda i: (i, 0)),
            pl.BlockSpec((R, D), lambda i: (i, 0)),
            pl.BlockSpec((R, 1), lambda i: (i, 0)),
            pl.BlockSpec((R, 1), lambda i: (i, 0)),
            pl.BlockSpec((D, D), lambda i: (0, 0)),
            pl.BlockSpec((D, D), lambda i: (0, 0)),
            pl.BlockSpec((1, D), lambda i: (0, 0)),
            pl.BlockSpec((1, D), lambda i: (0, 0)),
        ],
        out_specs=pl.BlockSpec((R, D), lambda i: (i, 0)),
        out_shape=jax.ShapeDtypeStruct((N, D), jnp.float32),
    )(agg0, agg1, deg0, deg1, W0, W1,
      b0.reshape(1, D), b1.reshape(1, D))


@jax.jit
def kernel(x, edge_index_rel0, edge_index_rel1, W0, b0, W1, b1):
    xcat = x.reshape(2 * N, H)
    eboth = jnp.concatenate([edge_index_rel0.reshape(2 * E),
                             edge_index_rel1.reshape(2 * E)])
    agg0, agg1, dg = _sc_aggregate(xcat, eboth)
    a0 = jnp.concatenate([agg0[0, :N], agg0[1, :N]], axis=1)
    a1 = jnp.concatenate([agg1[0, :N], agg1[1, :N]], axis=1)
    return _tc_epilogue(a0, a1, dg[0, :N, 0:1], dg[1, :N, 0:1],
                        W0, b0, W1, b1)

# --- scband reference (transcript-rebuilt; emitter-appended) ---
"""Pipeline reference for scband-general-rgclayer-67001489817706 (READ-ONLY COPY).

The authoritative reference and input builder live on the scoring server;
editing this copy changes nothing except your own understanding.
"""

import jax, jax.numpy as jnp
import numpy as np

N = 10000
D_IN = 256
D_OUT = 256
E = 160000


def setup_inputs(seed: int = 0) -> dict:
    key = jax.random.key(seed)
    k1, k2, k3, k4, k5 = jax.random.split(key, 5)
    x = jax.random.normal(k1, (N, D_IN), dtype=jnp.float32)
    # edge_index[0] = src nodes, edge_index[1] = dst nodes (int32 on CPU jax; int64 in torch)
    edge_index_rel0 = jax.random.randint(k2, (2, E), 0, N, dtype=jnp.int32)
    edge_index_rel1 = jax.random.randint(k3, (2, E), 0, N, dtype=jnp.int32)
    # Xavier-uniform per GraphConvLayer.reset_parameters
    limit = float(np.sqrt(6.0 / (D_IN + D_OUT)))
    W0 = jax.random.uniform(k4, (D_IN, D_OUT), minval=-limit, maxval=limit, dtype=jnp.float32)
    W1 = jax.random.uniform(k5, (D_IN, D_OUT), minval=-limit, maxval=limit, dtype=jnp.float32)
    b0 = jnp.zeros((D_OUT,), dtype=jnp.float32)
    b1 = jnp.zeros((D_OUT,), dtype=jnp.float32)
    return {"x": x, "edge_index_rel0": edge_index_rel0, "edge_index_rel1": edge_index_rel1,
            "W0": W0, "b0": b0, "W1": W1, "b1": b1}


def _graph_conv_right(feat, edge_index, W, b):
    # GraphConvLayer with norm='right', in_dim <= out_dim:
    # aggregate (copy_src + sum) -> matmul weight -> divide by in-degree -> add bias
    src = edge_index[0]
    dst = edge_index[1]
    msg = jnp.take(feat, src, axis=0)                       # gather
    agg = jax.ops.segment_sum(msg, dst, num_segments=N)     # scatter-add
    rst = agg @ W
    deg = jax.ops.segment_sum(jnp.ones((edge_index.shape[1],), dtype=feat.dtype), dst, num_segments=N)
    norm = 1.0 / jnp.clip(deg, 1.0, None)
    rst = rst * norm[:, None]
    rst = rst + b
    return rst


def reference(x, edge_index_rel0, edge_index_rel1, W0, b0, W1, b1):
    # GeneralRGCLayer: per-relation GraphConvLayer, aggregate='sum' across relations
    out0 = _graph_conv_right(x, edge_index_rel0, W0, b0)
    out1 = _graph_conv_right(x, edge_index_rel1, W1, b1)
    return out0 + out1

if __name__ == "__main__":
    import jax
    _d = setup_inputs()
    print(jax.jit(kernel)(*tuple(_d.values())))

</pallas_src>

<mosaic_0001>
#map = affine_map<(d0, d1) -> (0, 0)>
#map1 = affine_map<(d0, d1) -> (0)>
#map2 = affine_map<(d0, d1) -> (0, 0, 0)>
module attributes {stable_mosaic.version = 14 : i64} {
  func.func @_sc_body(%arg0: i32, %arg1: i32, %arg2: memref<20000x128xf32, #tpu.memory_space<hbm>>, %arg3: memref<640000xi32, #tpu.memory_space<hbm>>, %arg4: memref<10240x128xf32, #tpu.memory_space<hbm>>, %arg5: memref<80x128xf32, #tpu.memory_space<hbm>>, %arg6: memref<2x10240x128xf32, #tpu.memory_space<hbm>>, %arg7: memref<2x10240x128xf32, #tpu.memory_space<hbm>>, %arg8: memref<2x10240x128xf32, #tpu.memory_space<hbm>>, %arg9: memref<10240x128xf32, #tpu.memory_space<vmem_shared>>, %arg10: memref<80xi32, #tpu.memory_space<vmem>>, %arg11: memref<80xi32, #tpu.memory_space<vmem>>, %arg12: memref<80x128xf32, #tpu.memory_space<vmem>>, %arg13: memref<80xi32, #tpu.memory_space<vmem>>, %arg14: memref<80xi32, #tpu.memory_space<vmem>>, %arg15: memref<80x128xf32, #tpu.memory_space<vmem>>, %arg16: memref<80x128xf32, #tpu.memory_space<vmem>>, %arg17: memref<!tpu.dma_semaphore, #tpu.memory_space<semaphore_mem>>, %arg18: memref<!tpu.dma_semaphore, #tpu.memory_space<semaphore_mem>>) attributes {dimension_semantics = [#tpu.dimension_semantics<core_parallel>, #tpu.dimension_semantics<subcore_parallel>], iteration_bounds = array<i64: 2, 16>, scalar_prefetch = 0 : i64, scratch_operands = 10 : i64, tpu.core_type = #tpu.core_type<sc_vector_subcore>, window_params = [{transform_indices = #map}, {transform_indices = #map1}, {transform_indices = #map}, {transform_indices = #map}, {transform_indices = #map2}, {transform_indices = #map2}, {transform_indices = #map2}]} {
    %mul3A = arith.constant 640 : i32
    %mul3A_0 = arith.muli %arg1, %mul3A : i32
    %mul3A_1 = arith.constant 10000 : i32
    %mul3A_2 = arith.muli %arg1, %mul3A_1 : i32
    "tpu.region"() ({
      %run_scoped3A = tpu.sem_alloc : memref<!tpu.dma_semaphore, #tpu.memory_space<semaphore_mem>>
      tpu.enqueue_dma source(%arg5 : memref<80x128xf32, #tpu.memory_space<hbm>>) target(%arg16 : memref<80x128xf32, #tpu.memory_space<vmem>>) target_semaphore(%run_scoped3A : memref<!tpu.dma_semaphore, #tpu.memory_space<semaphore_mem>>)
      tpu.wait_dma2 semaphore(%run_scoped3A : memref<!tpu.dma_semaphore, #tpu.memory_space<semaphore_mem>>) src(%arg5 : memref<80x128xf32, #tpu.memory_space<hbm>>) dst(%arg16 : memref<80x128xf32, #tpu.memory_space<vmem>>)
      tpu.yield
    }) : () -> ()
    "tpu.region"() ({
      %run_scoped3A = tpu.sem_alloc : memref<!tpu.dma_semaphore, #tpu.memory_space<semaphore_mem>>
      %dma_start3A_176 = arith.constant 0 : i32
      %dma_start3A_177 = tpu.memref_slice %arg9[%mul3A_0, %dma_start3A_176] : memref<10240x128xf32, #tpu.memory_space<vmem_shared>> -> memref<640x128xf32, #tpu.memory_space<vmem_shared>>
      %dma_start3A_178 = arith.constant 0 : i32
      %dma_start3A_179 = tpu.memref_slice %arg4[%mul3A_0, %dma_start3A_178] : memref<10240x128xf32, #tpu.memory_space<hbm>> -> memref<640x128xf32, #tpu.memory_space<hbm>>
      tpu.enqueue_dma source(%dma_start3A_179 : memref<640x128xf32, #tpu.memory_space<hbm>>) target(%dma_start3A_177 : memref<640x128xf32, #tpu.memory_space<vmem_shared>>) target_semaphore(%run_scoped3A : memref<!tpu.dma_semaphore, #tpu.memory_space<semaphore_mem>>)
      %dma_wait3A_180 = arith.constant 0 : i32
      %dma_wait3A_181 = tpu.memref_slice %arg9[%mul3A_0, %dma_wait3A_180] : memref<10240x128xf32, #tpu.memory_space<vmem_shared>> -> memref<640x128xf32, #tpu.memory_space<vmem_shared>>
      %dma_wait3A_182 = arith.constant 0 : i32
      %dma_wait3A_183 = tpu.memref_slice %arg4[%mul3A_0, %dma_wait3A_182] : memref<10240x128xf32, #tpu.memory_space<hbm>> -> memref<640x128xf32, #tpu.memory_space<hbm>>
      tpu.wait_dma2 semaphore(%run_scoped3A : memref<!tpu.dma_semaphore, #tpu.memory_space<semaphore_mem>>) src(%dma_wait3A_183 : memref<640x128xf32, #tpu.memory_space<hbm>>) dst(%dma_wait3A_181 : memref<640x128xf32, #tpu.memory_space<vmem_shared>>)
      tpu.yield
    }) : () -> ()
    %barrier3A = arith.constant 0 : index
    tpu.barrier barrier_id(%barrier3A)
    %add3A = arith.constant 0 : i32
    %add3A_3 = arith.addi %mul3A_2, %add3A : i32
    %add3A_4 = arith.constant 160000 : i32
    %add3A_5 = arith.addi %add3A_4, %add3A_3 : i32
    "tpu.region"() ({
      %run_scoped3A = tpu.sem_alloc : memref<!tpu.dma_semaphore, #tpu.memory_space<semaphore_mem>>
      %dma_start3A_176 = tpu.memref_slice %arg3[%add3A_5] : memref<640000xi32, #tpu.memory_space<hbm>> -> memref<80xi32, #tpu.memory_space<hbm>>
      %dma_start3A_177 = tpu.memref_slice %arg3[%add3A_5] : memref<640000xi32, #tpu.memory_space<hbm>> -> memref<80xi32, #tpu.memory_space<hbm>>
      tpu.enqueue_dma source(%dma_start3A_177 : memref<80xi32, #tpu.memory_space<hbm>>) target(%arg10 : memref<80xi32, #tpu.memory_space<vmem>>) target_semaphore(%run_scoped3A : memref<!tpu.dma_semaphore, #tpu.memory_space<semaphore_mem>>)
      %dma_wait3A_178 = tpu.memref_slice %arg3[%add3A_5] : memref<640000xi32, #tpu.memory_space<hbm>> -> memref<80xi32, #tpu.memory_space<hbm>>
      %dma_wait3A_179 = tpu.memref_slice %arg3[%add3A_5] : memref<640000xi32, #tpu.memory_space<hbm>> -> memref<80xi32, #tpu.memory_space<hbm>>
      tpu.wait_dma2 semaphore(%run_scoped3A : memref<!tpu.dma_semaphore, #tpu.memory_space<semaphore_mem>>) src(%dma_wait3A_179 : memref<80xi32, #tpu.memory_space<hbm>>) dst(%arg10 : memref<80xi32, #tpu.memory_space<vmem>>)
      tpu.yield
    }) : () -> ()
    %add3A_6 = arith.constant 0 : i32
    %add3A_7 = arith.addi %add3A_6, %add3A_3 : i32
    "tpu.region"() ({
      %run_scoped3A = tpu.sem_alloc : memref<!tpu.dma_semaphore, #tpu.memory_space<semaphore_mem>>
      %dma_start3A_176 = tpu.memref_slice %arg3[%add3A_7] : memref<640000xi32, #tpu.memory_space<hbm>> -> memref<80xi32, #tpu.memory_space<hbm>>
      %dma_start3A_177 = tpu.memref_slice %arg3[%add3A_7] : memref<640000xi32, #tpu.memory_space<hbm>> -> memref<80xi32, #tpu.memory_space<hbm>>
      tpu.enqueue_dma source(%dma_start3A_177 : memref<80xi32, #tpu.memory_space<hbm>>) target(%arg11 : memref<80xi32, #tpu.memory_space<vmem>>) target_semaphore(%run_scoped3A : memref<!tpu.dma_semaphore, #tpu.memory_space<semaphore_mem>>)
      %dma_wait3A_178 = tpu.memref_slice %arg3[%add3A_7] : memref<640000xi32, #tpu.memory_space<hbm>> -> memref<80xi32, #tpu.memory_space<hbm>>
      %dma_wait3A_179 = tpu.memref_slice %arg3[%add3A_7] : memref<640000xi32, #tpu.memory_space<hbm>> -> memref<80xi32, #tpu.memory_space<hbm>>
      tpu.wait_dma2 semaphore(%run_scoped3A : memref<!tpu.dma_semaphore, #tpu.memory_space<semaphore_mem>>) src(%dma_wait3A_179 : memref<80xi32, #tpu.memory_space<hbm>>) dst(%arg11 : memref<80xi32, #tpu.memory_space<vmem>>)
      tpu.yield
    }) : () -> ()
    %get3A = arith.constant 0 : index
    %get3A_8 = tpu.vector_load %arg11[%get3A] {strides = array<i32>} : memref<80xi32, #tpu.memory_space<vmem>>, vector<16xi32>,
    %get3A_9 = vector.shape_cast %get3A_8 : vector<16xi32> to vector<16xi32>
    %mul3A_10 = arith.constant 2 : i32
    %mul3A_11 = vector.broadcast %mul3A_10 : i32 to vector<16xi32>
    %mul3A_12 = arith.muli %get3A_9, %mul3A_11 : vector<16xi32>
    %add3A_13 = vector.broadcast %arg0 : i32 to vector<16xi32>
    %add3A_14 = arith.addi %mul3A_12, %add3A_13 : vector<16xi32>
    %swap3A = arith.constant 0 : index
    %swap3A_15 = tpu.vector_load %arg11[%swap3A] {strides = array<i32>} : memref<80xi32, #tpu.memory_space<vmem>>, vector<16xi32>,
    %swap3A_16 = vector.shape_cast %swap3A_15 : vector<16xi32> to vector<16xi32>
    %swap3A_17 = vector.shape_cast %add3A_14 : vector<16xi32> to vector<16xi32>
    tpu.vector_store %arg11[%swap3A], %swap3A_17 {strides = array<i32>} : memref<80xi32, #tpu.memory_space<vmem>>, vector<16xi32>,
    %get3A_18 = arith.constant 16 : index
    %get3A_19 = tpu.vector_load %arg11[%get3A_18] {strides = array<i32>} : memref<80xi32, #tpu.memory_space<vmem>>, vector<16xi32>,
    %get3A_20 = vector.shape_cast %get3A_19 : vector<16xi32> to vector<16xi32>
    %mul3A_21 = arith.constant 2 : i32
    %mul3A_22 = vector.broadcast %mul3A_21 : i32 to vector<16xi32>
    %mul3A_23 = arith.muli %get3A_20, %mul3A_22 : vector<16xi32>
    %add3A_24 = vector.broadcast %arg0 : i32 to vector<16xi32>
    %add3A_25 = arith.addi %mul3A_23, %add3A_24 : vector<16xi32>
    %swap3A_26 = arith.constant 16 : index
    %swap3A_27 = tpu.vector_load %arg11[%swap3A_26] {strides = array<i32>} : memref<80xi32, #tpu.memory_space<vmem>>, vector<16xi32>,
    %swap3A_28 = vector.shape_cast %swap3A_27 : vector<16xi32> to vector<16xi32>
    %swap3A_29 = vector.shape_cast %add3A_25 : vector<16xi32> to vector<16xi32>
    tpu.vector_store %arg11[%swap3A_26], %swap3A_29 {strides = array<i32>} : memref<80xi32, #tpu.memory_space<vmem>>, vector<16xi32>,
    %get3A_30 = arith.constant 32 : index
    %get3A_31 = tpu.vector_load %arg11[%get3A_30] {strides = array<i32>} : memref<80xi32, #tpu.memory_space<vmem>>, vector<16xi32>,
    %get3A_32 = vector.shape_cast %get3A_31 : vector<16xi32> to vector<16xi32>
    %mul3A_33 = arith.constant 2 : i32
    %mul3A_34 = vector.broadcast %mul3A_33 : i32 to vector<16xi32>
    %mul3A_35 = arith.muli %get3A_32, %mul3A_34 : vector<16xi32>
    %add3A_36 = vector.broadcast %arg0 : i32 to vector<16xi32>
    %add3A_37 = arith.addi %mul3A_35, %add3A_36 : vector<16xi32>
    %swap3A_38 = arith.constant 32 : index
    %swap3A_39 = tpu.vector_load %arg11[%swap3A_38] {strides = array<i32>} : memref<80xi32, #tpu.memory_space<vmem>>, vector<16xi32>,
    %swap3A_40 = vector.shape_cast %swap3A_39 : vector<16xi32> to vector<16xi32>
    %swap3A_41 = vector.shape_cast %add3A_37 : vector<16xi32> to vector<16xi32>
    tpu.vector_store %arg11[%swap3A_38], %swap3A_41 {strides = array<i32>} : memref<80xi32, #tpu.memory_space<vmem>>, vector<16xi32>,
    %get3A_42 = arith.constant 48 : index
    %get3A_43 = tpu.vector_load %arg11[%get3A_42] {strides = array<i32>} : memref<80xi32, #tpu.memory_space<vmem>>, vector<16xi32>,
    %get3A_44 = vector.shape_cast %get3A_43 : vector<16xi32> to vector<16xi32>
    %mul3A_45 = arith.constant 2 : i32
    %mul3A_46 = vector.broadcast %mul3A_45 : i32 to vector<16xi32>
    %mul3A_47 = arith.muli %get3A_44, %mul3A_46 : vector<16xi32>
    %add3A_48 = vector.broadcast %arg0 : i32 to vector<16xi32>
    %add3A_49 = arith.addi %mul3A_47, %add3A_48 : vector<16xi32>
    %swap3A_50 = arith.constant 48 : index
    %swap3A_51 = tpu.vector_load %arg11[%swap3A_50] {strides = array<i32>} : memref<80xi32, #tpu.memory_space<vmem>>, vector<16xi32>,
    %swap3A_52 = vector.shape_cast %swap3A_51 : vector<16xi32> to vector<16xi32>
    %swap3A_53 = vector.shape_cast %add3A_49 : vector<16xi32> to vector<16xi32>
    tpu.vector_store %arg11[%swap3A_50], %swap3A_53 {strides = array<i32>} : memref<80xi32, #tpu.memory_space<vmem>>, vector<16xi32>,
    %get3A_54 = arith.constant 64 : index
    %get3A_55 = tpu.vector_load %arg11[%get3A_54] {strides = array<i32>} : memref<80xi32, #tpu.memory_space<vmem>>, vector<16xi32>,
    %get3A_56 = vector.shape_cast %get3A_55 : vector<16xi32> to vector<16xi32>
    %mul3A_57 = arith.constant 2 : i32
    %mul3A_58 = vector.broadcast %mul3A_57 : i32 to vector<16xi32>
    %mul3A_59 = arith.muli %get3A_56, %mul3A_58 : vector<16xi32>
    %add3A_60 = vector.broadcast %arg0 : i32 to vector<16xi32>
    %add3A_61 = arith.addi %mul3A_59, %add3A_60 : vector<16xi32>
    %swap3A_62 = arith.constant 64 : index
    %swap3A_63 = tpu.vector_load %arg11[%swap3A_62] {strides = array<i32>} : memref<80xi32, #tpu.memory_space<vmem>>, vector<16xi32>,
    %swap3A_64 = vector.shape_cast %swap3A_63 : vector<16xi32> to vector<16xi32>
    %swap3A_65 = vector.shape_cast %add3A_61 : vector<16xi32> to vector<16xi32>
    tpu.vector_store %arg11[%swap3A_62], %swap3A_65 {strides = array<i32>} : memref<80xi32, #tpu.memory_space<vmem>>, vector<16xi32>,
    %dma_start3A = arith.constant 0 : i32
    %dma_start3A_66 = arith.constant 0 : i32
    %dma_start3A_67 = tpu.memref_slice %arg2[%dma_start3A, %dma_start3A_66] : memref<20000x128xf32, #tpu.memory_space<hbm>> -> memref<20000x128xf32, #tpu.memory_space<hbm>>
    tpu.enqueue_indirect_dma source(%dma_start3A_67 : memref<20000x128xf32, #tpu.memory_space<hbm>>) target(%arg12 : memref<80x128xf32, #tpu.memory_space<vmem>>) offsets(%arg11 : memref<80xi32, #tpu.memory_space<vmem>>) semaphore(%arg17 : memref<!tpu.dma_semaphore, #tpu.memory_space<semaphore_mem>>)
    %scan3A = arith.constant 0 : i32
    %scan3A_68 = arith.constant 62 : i32
    %scan3A_69 = arith.addi %scan3A, %scan3A_68 : i32
    %scan3A_70 = arith.constant 1 : i32
    scf.for %scan3A_176 = %scan3A to %scan3A_69 step %scan3A_70  : i32 {
      %mul3A_177 = arith.constant 2 : i32
      %mul3A_178 = arith.muli %mul3A_177, %scan3A_176 : i32
      %add3A_179 = arith.constant 1 : i32
      %add3A_180 = arith.addi %mul3A_178, %add3A_179 : i32
      %mul3A_181 = arith.constant 80 : i32
      %mul3A_182 = arith.muli %add3A_180, %mul3A_181 : i32
      %add3A_183 = arith.addi %mul3A_2, %mul3A_182 : i32
      %add3A_184 = arith.constant 160000 : i32
      %add3A_185 = arith.addi %add3A_184, %add3A_183 : i32
      "tpu.region"() ({
        %run_scoped3A = tpu.sem_alloc : memref<!tpu.dma_semaphore, #tpu.memory_space<semaphore_mem>>
        %dma_start3A_331 = tpu.memref_slice %arg3[%add3A_185] : memref<640000xi32, #tpu.memory_space<hbm>> -> memref<80xi32, #tpu.memory_space<hbm>>
        %dma_start3A_332 = tpu.memref_slice %arg3[%add3A_185] : memref<640000xi32, #tpu.memory_space<hbm>> -> memref<80xi32, #tpu.memory_space<hbm>>
        tpu.enqueue_dma source(%dma_start3A_332 : memref<80xi32, #tpu.memory_space<hbm>>) target(%arg13 : memref<80xi32, #tpu.memory_space<vmem>>) target_semaphore(%run_scoped3A : memref<!tpu.dma_semaphore, #tpu.memory_space<semaphore_mem>>)
        %dma_wait3A_333 = tpu.memref_slice %arg3[%add3A_185] : memref<640000xi32, #tpu.memory_space<hbm>> -> memref<80xi32, #tpu.memory_space<hbm>>
        %dma_wait3A_334 = tpu.memref_slice %arg3[%add3A_185] : memref<640000xi32, #tpu.memory_space<hbm>> -> memref<80xi32, #tpu.memory_space<hbm>>
        tpu.wait_dma2 semaphore(%run_scoped3A : memref<!tpu.dma_semaphore, #tpu.memory_space<semaphore_mem>>) src(%dma_wait3A_334 : memref<80xi32, #tpu.memory_space<hbm>>) dst(%arg13 : memref<80xi32, #tpu.memory_space<vmem>>)
        tpu.yield
      }) : () -> ()
      %add3A_186 = arith.constant 0 : i32
      %add3A_187 = arith.addi %add3A_186, %add3A_183 : i32
      "tpu.region"() ({
        %run_scoped3A = tpu.sem_alloc : memref<!tpu.dma_semaphore, #tpu.memory_space<semaphore_mem>>
        %dma_start3A_331 = tpu.memref_slice %arg3[%add3A_187] : memref<640000xi32, #tpu.memory_space<hbm>> -> memref<80xi32, #tpu.memory_space<hbm>>
        %dma_start3A_332 = tpu.memref_slice %arg3[%add3A_187] : memref<640000xi32, #tpu.memory_space<hbm>> -> memref<80xi32, #tpu.memory_space<hbm>>
        tpu.enqueue_dma source(%dma_start3A_332 : memref<80xi32, #tpu.memory_space<hbm>>) target(%arg14 : memref<80xi32, #tpu.memory_space<vmem>>) target_semaphore(%run_scoped3A : memref<!tpu.dma_semaphore, #tpu.memory_space<semaphore_mem>>)
        %dma_wait3A_333 = tpu.memref_slice %arg3[%add3A_187] : memref<640000xi32, #tpu.memory_space<hbm>> -> memref<80xi32, #tpu.memory_space<hbm>>
        %dma_wait3A_334 = tpu.memref_slice %arg3[%add3A_187] : memref<640000xi32, #tpu.memory_space<hbm>> -> memref<80xi32, #tpu.memory_space<hbm>>
        tpu.wait_dma2 semaphore(%run_scoped3A : memref<!tpu.dma_semaphore, #tpu.memory_space<semaphore_mem>>) src(%dma_wait3A_334 : memref<80xi32, #tpu.memory_space<hbm>>) dst(%arg14 : memref<80xi32, #tpu.memory_space<vmem>>)
        tpu.yield
      }) : () -> ()
      %get3A_188 = arith.constant 0 : index
      %get3A_189 = tpu.vector_load %arg14[%get3A_188] {strides = array<i32>} : memref<80xi32, #tpu.memory_space<vmem>>, vector<16xi32>,
      %get3A_190 = vector.shape_cast %get3A_189 : vector<16xi32> to vector<16xi32>
      %mul3A_191 = arith.constant 2 : i32
      %mul3A_192 = vector.broadcast %mul3A_191 : i32 to vector<16xi32>
      %mul3A_193 = arith.muli %get3A_190, %mul3A_192 : vector<16xi32>
      %add3A_194 = vector.broadcast %arg0 : i32 to vector<16xi32>
      %add3A_195 = arith.addi %mul3A_193, %add3A_194 : vector<16xi32>
      %swap3A_196 = arith.constant 0 : index
      %swap3A_197 = tpu.vector_load %arg14[%swap3A_196] {strides = array<i32>} : memref<80xi32, #tpu.memory_space<vmem>>, vector<16xi32>,
      %swap3A_198 = vector.shape_cast %swap3A_197 : vector<16xi32> to vector<16xi32>
      %swap3A_199 = vector.shape_cast %add3A_195 : vector<16xi32> to vector<16xi32>
      tpu.vector_store %arg14[%swap3A_196], %swap3A_199 {strides = array<i32>} : memref<80xi32, #tpu.memory_space<vmem>>, vector<16xi32>,
      %get3A_200 = arith.constant 16 : index
      %get3A_201 = tpu.vector_load %arg14[%get3A_200] {strides = array<i32>} : memref<80xi32, #tpu.memory_space<vmem>>, vector<16xi32>,
      %get3A_202 = vector.shape_cast %get3A_201 : vector<16xi32> to vector<16xi32>
      %mul3A_203 = arith.constant 2 : i32
      %mul3A_204 = vector.broadcast %mul3A_203 : i32 to vector<16xi32>
      %mul3A_205 = arith.muli %get3A_202, %mul3A_204 : vector<16xi32>
      %add3A_206 = vector.broadcast %arg0 : i32 to vector<16xi32>
      %add3A_207 = arith.addi %mul3A_205, %add3A_206 : vector<16xi32>
      %swap3A_208 = arith.constant 16 : index
      %swap3A_209 = tpu.vector_load %arg14[%swap3A_208] {strides = array<i32>} : memref<80xi32, #tpu.memory_space<vmem>>, vector<16xi32>,
      %swap3A_210 = vector.shape_cast %swap3A_209 : vector<16xi32> to vector<16xi32>
      %swap3A_211 = vector.shape_cast %add3A_207 : vector<16xi32> to vector<16xi32>
      tpu.vector_store %arg14[%swap3A_208], %swap3A_211 {strides = array<i32>} : memref<80xi32, #tpu.memory_space<vmem>>, vector<16xi32>,
      %get3A_212 = arith.constant 32 : index
      %get3A_213 = tpu.vector_load %arg14[%get3A_212] {strides = array<i32>} : memref<80xi32, #tpu.memory_space<vmem>>, vector<16xi32>,
      %get3A_214 = vector.shape_cast %get3A_213 : vector<16xi32> to vector<16xi32>
      %mul3A_215 = arith.constant 2 : i32
      %mul3A_216 = vector.broadcast %mul3A_215 : i32 to vector<16xi32>
      %mul3A_217 = arith.muli %get3A_214, %mul3A_216 : vector<16xi32>
      %add3A_218 = vector.broadcast %arg0 : i32 to vector<16xi32>
      %add3A_219 = arith.addi %mul3A_217, %add3A_218 : vector<16xi32>
      %swap3A_220 = arith.constant 32 : index
      %swap3A_221 = tpu.vector_load %arg14[%swap3A_220] {strides = array<i32>} : memref<80xi32, #tpu.memory_space<vmem>>, vector<16xi32>,
      %swap3A_222 = vector.shape_cast %swap3A_221 : vector<16xi32> to vector<16xi32>
      %swap3A_223 = vector.shape_cast %add3A_219 : vector<16xi32> to vector<16xi32>
      tpu.vector_store %arg14[%swap3A_220], %swap3A_223 {strides = array<i32>} : memref<80xi32, #tpu.memory_space<vmem>>, vector<16xi32>,
      %get3A_224 = arith.constant 48 : index
      %get3A_225 = tpu.vector_load %arg14[%get3A_224] {strides = array<i32>} : memref<80xi32, #tpu.memory_space<vmem>>, vector<16xi32>,
      %get3A_226 = vector.shape_cast %get3A_225 : vector<16xi32> to vector<16xi32>
      %mul3A_227 = arith.constant 2 : i32
      %mul3A_228 = vector.broadcast %mul3A_227 : i32 to vector<16xi32>
      %mul3A_229 = arith.muli %get3A_226, %mul3A_228 : vector<16xi32>
      %add3A_230 = vector.broadcast %arg0 : i32 to vector<16xi32>
      %add3A_231 = arith.addi %mul3A_229, %add3A_230 : vector<16xi32>
      %swap3A_232 = arith.constant 48 : index
      %swap3A_233 = tpu.vector_load %arg14[%swap3A_232] {strides = array<i32>} : memref<80xi32, #tpu.memory_space<vmem>>, vector<16xi32>,
      %swap3A_234 = vector.shape_cast %swap3A_233 : vector<16xi32> to vector<16xi32>
      %swap3A_235 = vector.shape_cast %add3A_231 : vector<16xi32> to vector<16xi32>
      tpu.vector_store %arg14[%swap3A_232], %swap3A_235 {strides = array<i32>} : memref<80xi32, #tpu.memory_space<vmem>>, vector<16xi32>,
      %get3A_236 = arith.constant 64 : index
      %get3A_237 = tpu.vector_load %arg14[%get3A_236] {strides = array<i32>} : memref<80xi32, #tpu.memory_space<vmem>>, vector<16xi32>,
      %get3A_238 = vector.shape_cast %get3A_237 : vector<16xi32> to vector<16xi32>
      %mul3A_239 = arith.constant 2 : i32
      %mul3A_240 = vector.broadcast %mul3A_239 : i32 to vector<16xi32>
      %mul3A_241 = arith.muli %get3A_238, %mul3A_240 : vector<16xi32>
      %add3A_242 = vector.broadcast %arg0 : i32 to vector<16xi32>
      %add3A_243 = arith.addi %mul3A_241, %add3A_242 : vector<16xi32>
      %swap3A_244 = arith.constant 64 : index
      %swap3A_245 = tpu.vector_load %arg14[%swap3A_244] {strides = array<i32>} : memref<80xi32, #tpu.memory_space<vmem>>, vector<16xi32>,
      %swap3A_246 = vector.shape_cast %swap3A_245 : vector<16xi32> to vector<16xi32>
      %swap3A_247 = vector.shape_cast %add3A_243 : vector<16xi32> to vector<16xi32>
      tpu.vector_store %arg14[%swap3A_244], %swap3A_247 {strides = array<i32>} : memref<80xi32, #tpu.memory_space<vmem>>, vector<16xi32>,
      %dma_start3A_248 = arith.constant 0 : i32
      %dma_start3A_249 = arith.constant 0 : i32
      %dma_start3A_250 = tpu.memref_slice %arg2[%dma_start3A_248, %dma_start3A_249] : memref<20000x128xf32, #tpu.memory_space<hbm>> -> memref<20000x128xf32, #tpu.memory_space<hbm>>
      tpu.enqueue_indirect_dma source(%dma_start3A_250 : memref<20000x128xf32, #tpu.memory_space<hbm>>) target(%arg15 : memref<80x128xf32, #tpu.memory_space<vmem>>) offsets(%arg14 : memref<80xi32, #tpu.memory_space<vmem>>) semaphore(%arg18 : memref<!tpu.dma_semaphore, #tpu.memory_space<semaphore_mem>>)
      %dma_wait3A_251 = arith.constant 0 : i32
      %dma_wait3A_252 = arith.constant 0 : i32
      %dma_wait3A_253 = tpu.memref_slice %arg2[%dma_wait3A_251, %dma_wait3A_252] : memref<20000x128xf32, #tpu.memory_space<hbm>> -> memref<20000x128xf32, #tpu.memory_space<hbm>>
      tpu.wait_indirect_dma semaphore(%arg17 : memref<!tpu.dma_semaphore, #tpu.memory_space<semaphore_mem>>) src(%dma_wait3A_253 : memref<20000x128xf32, #tpu.memory_space<hbm>>) dst(%arg12 : memref<80x128xf32, #tpu.memory_space<vmem>>)
      "tpu.region"() ({
        %run_scoped3A = tpu.sem_alloc : memref<!tpu.dma_semaphore, #tpu.memory_space<semaphore_mem>>
        %dma_start3A_331 = arith.constant 0 : i32
        %dma_start3A_332 = arith.constant 0 : i32
        %dma_start3A_333 = tpu.memref_slice %arg9[%dma_start3A_331, %dma_start3A_332] : memref<10240x128xf32, #tpu.memory_space<vmem_shared>> -> memref<10240x128xf32, #tpu.memory_space<vmem_shared>>
        tpu.enqueue_indirect_dma source(%arg12 : memref<80x128xf32, #tpu.memory_space<vmem>>) target(%dma_start3A_333 : memref<10240x128xf32, #tpu.memory_space<vmem_shared>>) offsets(%arg10 : memref<80xi32, #tpu.memory_space<vmem>>) semaphore(%run_scoped3A : memref<!tpu.dma_semaphore, #tpu.memory_space<semaphore_mem>>) {add = true}
        %dma_wait3A_334 = arith.constant 0 : i32
        %dma_wait3A_335 = arith.constant 0 : i32
        %dma_wait3A_336 = tpu.memref_slice %arg9[%dma_wait3A_334, %dma_wait3A_335] : memref<10240x128xf32, #tpu.memory_space<vmem_shared>> -> memref<10240x128xf32, #tpu.memory_space<vmem_shared>>
        tpu.wait_indirect_dma semaphore(%run_scoped3A : memref<!tpu.dma_semaphore, #tpu.memory_space<semaphore_mem>>) src(%arg12 : memref<80x128xf32, #tpu.memory_space<vmem>>) dst(%dma_wait3A_336 : memref<10240x128xf32, #tpu.memory_space<vmem_shared>>)
        tpu.yield
      }) : () -> ()
      %mul3A_254 = arith.constant 2 : i32
      %mul3A_255 = arith.muli %mul3A_254, %scan3A_176 : i32
      %add3A_256 = arith.constant 2 : i32
      %add3A_257 = arith.addi %mul3A_255, %add3A_256 : i32
      %mul3A_258 = arith.constant 80 : i32
      %mul3A_259 = arith.muli %add3A_257, %mul3A_258 : i32
      %add3A_260 = arith.addi %mul3A_2, %mul3A_259 : i32
      %add3A_261 = arith.constant 160000 : i32
      %add3A_262 = arith.addi %add3A_261, %add3A_260 : i32
      "tpu.region"() ({
        %run_scoped3A = tpu.sem_alloc : memref<!tpu.dma_semaphore, #tpu.memory_space<semaphore_mem>>
        %dma_start3A_331 = tpu.memref_slice %arg3[%add3A_262] : memref<640000xi32, #tpu.memory_space<hbm>> -> memref<80xi32, #tpu.memory_space<hbm>>
        %dma_start3A_332 = tpu.memref_slice %arg3[%add3A_262] : memref<640000xi32, #tpu.memory_space<hbm>> -> memref<80xi32, #tpu.memory_space<hbm>>
        tpu.enqueue_dma source(%dma_start3A_332 : memref<80xi32, #tpu.memory_space<hbm>>) target(%arg10 : memref<80xi32, #tpu.memory_space<vmem>>) target_semaphore(%run_scoped3A : memref<!tpu.dma_semaphore, #tpu.memory_space<semaphore_mem>>)
        %dma_wait3A_333 = tpu.memref_slice %arg3[%add3A_262] : memref<640000xi32, #tpu.memory_space<hbm>> -> memref<80xi32, #tpu.memory_space<hbm>>
        %dma_wait3A_334 = tpu.memref_slice %arg3[%add3A_262] : memref<640000xi32, #tpu.memory_space<hbm>> -> memref<80xi32, #tpu.memory_space<hbm>>
        tpu.wait_dma2 semaphore(%run_scoped3A : memref<!tpu.dma_semaphore, #tpu.memory_space<semaphore_mem>>) src(%dma_wait3A_334 : memref<80xi32, #tpu.memory_space<hbm>>) dst(%arg10 : memref<80xi32, #tpu.memory_space<vmem>>)
        tpu.yield
      }) : () -> ()
      %add3A_263 = arith.constant 0 : i32
      %add3A_264 = arith.addi %add3A_263, %add3A_260 : i32
      "tpu.region"() ({
        %run_scoped3A = tpu.sem_alloc : memref<!tpu.dma_semaphore, #tpu.memory_space<semaphore_mem>>
        %dma_start3A_331 = tpu.memref_slice %arg3[%add3A_264] : memref<640000xi32, #tpu.memory_space<hbm>> -> memref<80xi32, #tpu.memory_space<hbm>>
        %dma_start3A_332 = tpu.memref_slice %arg3[%add3A_264] : memref<640000xi32, #tpu.memory_space<hbm>> -> memref<80xi32, #tpu.memory_space<hbm>>
        tpu.enqueue_dma source(%dma_start3A_332 : memref<80xi32, #tpu.memory_space<hbm>>) target(%arg11 : memref<80xi32, #tpu.memory_space<vmem>>) target_semaphore(%run_scoped3A : memref<!tpu.dma_semaphore, #tpu.memory_space<semaphore_mem>>)
        %dma_wait3A_333 = tpu.memref_slice %arg3[%add3A_264] : memref<640000xi32, #tpu.memory_space<hbm>> -> memref<80xi32, #tpu.memory_space<hbm>>
        %dma_wait3A_334 = tpu.memref_slice %arg3[%add3A_264] : memref<640000xi32, #tpu.memory_space<hbm>> -> memref<80xi32, #tpu.memory_space<hbm>>
        tpu.wait_dma2 semaphore(%run_scoped3A : memref<!tpu.dma_semaphore, #tpu.memory_space<semaphore_mem>>) src(%dma_wait3A_334 : memref<80xi32, #tpu.memory_space<hbm>>) dst(%arg11 : memref<80xi32, #tpu.memory_space<vmem>>)
        tpu.yield
      }) : () -> ()
      %get3A_265 = arith.constant 0 : index
      %get3A_266 = tpu.vector_load %arg11[%get3A_265] {strides = array<i32>} : memref<80xi32, #tpu.memory_space<vmem>>, vector<16xi32>,
      %get3A_267 = vector.shape_cast %get3A_266 : vector<16xi32> to vector<16xi32>
      %mul3A_268 = arith.constant 2 : i32
      %mul3A_269 = vector.broadcast %mul3A_268 : i32 to vector<16xi32>
      %mul3A_270 = arith.muli %get3A_267, %mul3A_269 : vector<16xi32>
      %add3A_271 = vector.broadcast %arg0 : i32 to vector<16xi32>
      %add3A_272 = arith.addi %mul3A_270, %add3A_271 : vector<16xi32>
      %swap3A_273 = arith.constant 0 : index
      %swap3A_274 = tpu.vector_load %arg11[%swap3A_273] {strides = array<i32>} : memref<80xi32, #tpu.memory_space<vmem>>, vector<16xi32>,
      %swap3A_275 = vector.shape_cast %swap3A_274 : vector<16xi32> to vector<16xi32>
      %swap3A_276 = vector.shape_cast %add3A_272 : vector<16xi32> to vector<16xi32>
      tpu.vector_store %arg11[%swap3A_273], %swap3A_276 {strides = array<i32>} : memref<80xi32, #tpu.memory_space<vmem>>, vector<16xi32>,
      %get3A_277 = arith.constant 16 : index
      %get3A_278 = tpu.vector_load %arg11[%get3A_277] {strides = array<i32>} : memref<80xi32, #tpu.memory_space<vmem>>, vector<16xi32>,
      %get3A_279 = vector.shape_cast %get3A_278 : vector<16xi32> to vector<16xi32>
      %mul3A_280 = arith.constant 2 : i32
      %mul3A_281 = vector.broadcast %mul3A_280 : i32 to vector<16xi32>
      %mul3A_282 = arith.muli %get3A_279, %mul3A_281 : vector<16xi32>
      %add3A_283 = vector.broadcast %arg0 : i32 to vector<16xi32>
      %add3A_284 = arith.addi %mul3A_282, %add3A_283 : vector<16xi32>
      %swap3A_285 = arith.constant 16 : index
      %swap3A_286 = tpu.vector_load %arg11[%swap3A_285] {strides = array<i32>} : memref<80xi32, #tpu.memory_space<vmem>>, vector<16xi32>,
      %swap3A_287 = vector.shape_cast %swap3A_286 : vector<16xi32> to vector<16xi32>
      %swap3A_288 = vector.shape_cast %add3A_284 : vector<16xi32> to vector<16xi32>
      tpu.vector_store %arg11[%swap3A_285], %swap3A_288 {strides = array<i32>} : memref<80xi32, #tpu.memory_space<vmem>>, vector<16xi32>,
      %get3A_289 = arith.constant 32 : index
      %get3A_290 = tpu.vector_load %arg11[%get3A_289] {strides = array<i32>} : memref<80xi32, #tpu.memory_space<vmem>>, vector<16xi32>,
      %get3A_291 = vector.shape_cast %get3A_290 : vector<16xi32> to vector<16xi32>
      %mul3A_292 = arith.constant 2 : i32
      %mul3A_293 = vector.broadcast %mul3A_292 : i32 to vector<16xi32>
      %mul3A_294 = arith.muli %get3A_291, %mul3A_293 : vector<16xi32>
      %add3A_295 = vector.broadcast %arg0 : i32 to vector<16xi32>
      %add3A_296 = arith.addi %mul3A_294, %add3A_295 : vector<16xi32>
      %swap3A_297 = arith.constant 32 : index
      %swap3A_298 = tpu.vector_load %arg11[%swap3A_297] {strides = array<i32>} : memref<80xi32, #tpu.memory_space<vmem>>, vector<16xi32>,
      %swap3A_299 = vector.shape_cast %swap3A_298 : vector<16xi32> to vector<16xi32>
      %swap3A_300 = vector.shape_cast %add3A_296 : vector<16xi32> to vector<16xi32>
      tpu.vector_store %arg11[%swap3A_297], %swap3A_300 {strides = array<i32>} : memref<80xi32, #tpu.memory_space<vmem>>, vector<16xi32>,
      %get3A_301 = arith.constant 48 : index
      %get3A_302 = tpu.vector_load %arg11[%get3A_301] {strides = array<i32>} : memref<80xi32, #tpu.memory_space<vmem>>, vector<16xi32>,
      %get3A_303 = vector.shape_cast %get3A_302 : vector<16xi32> to vector<16xi32>
      %mul3A_304 = arith.constant 2 : i32
      %mul3A_305 = vector.broadcast %mul3A_304 : i32 to vector<16xi32>
      %mul3A_306 = arith.muli %get3A_303, %mul3A_305 : vector<16xi32>
      %add3A_307 = vector.broadcast %arg0 : i32 to vector<16xi32>
      %add3A_308 = arith.addi %mul3A_306, %add3A_307 : vector<16xi32>
      %swap3A_309 = arith.constant 48 : index
      %swap3A_310 = tpu.vector_load %arg11[%swap3A_309] {strides = array<i32>} : memref<80xi32, #tpu.memory_space<vmem>>, vector<16xi32>,
      %swap3A_311 = vector.shape_cast %swap3A_310 : vector<16xi32> to vector<16xi32>
      %swap3A_312 = vector.shape_cast %add3A_308 : vector<16xi32> to vector<16xi32>
      tpu.vector_store %arg11[%swap3A_309], %swap3A_312 {strides = array<i32>} : memref<80xi32, #tpu.memory_space<vmem>>, vector<16xi32>,
      %get3A_313 = arith.constant 64 : index
      %get3A_314 = tpu.vector_load %arg11[%get3A_313] {strides = array<i32>} : memref<80xi32, #tpu.memory_space<vmem>>, vector<16xi32>,
      %get3A_315 = vector.shape_cast %get3A_314 : vector<16xi32> to vector<16xi32>
      %mul3A_316 = arith.constant 2 : i32
      %mul3A_317 = vector.broadcast %mul3A_316 : i32 to vector<16xi32>
      %mul3A_318 = arith.muli %get3A_315, %mul3A_317 : vector<16xi32>
      %add3A_319 = vector.broadcast %arg0 : i32 to vector<16xi32>
      %add3A_320 = arith.addi %mul3A_318, %add3A_319 : vector<16xi32>
      %swap3A_321 = arith.constant 64 : index
      %swap3A_322 = tpu.vector_load %arg11[%swap3A_321] {strides = array<i32>} : memref<80xi32, #tpu.memory_space<vmem>>, vector<16xi32>,
      %swap3A_323 = vector.shape_cast %swap3A_322 : vector<16xi32> to vector<16xi32>
      %swap3A_324 = vector.shape_cast %add3A_320 : vector<16xi32> to vector<16xi32>
      tpu.vector_store %arg11[%swap3A_321], %swap3A_324 {strides = array<i32>} : memref<80xi32, #tpu.memory_space<vmem>>, vector<16xi32>,
      %dma_start3A_325 = arith.constant 0 : i32
      %dma_start3A_326 = arith.constant 0 : i32
      %dma_start3A_327 = tpu.memref_slice %arg2[%dma_start3A_325, %dma_start3A_326] : memref<20000x128xf32, #tpu.memory_space<hbm>> -> memref<20000x128xf32, #tpu.memory_space<hbm>>
      tpu.enqueue_indirect_dma source(%dma_start3A_327 : memref<20000x128xf32, #tpu.memory_space<hbm>>) target(%arg12 : memref<80x128xf32, #tpu.memory_space<vmem>>) offsets(%arg11 : memref<80xi32, #tpu.memory_space<vmem>>) semaphore(%arg17 : memref<!tpu.dma_semaphore, #tpu.memory_space<semaphore_mem>>)
      %dma_wait3A_328 = arith.constant 0 : i32
      %dma_wait3A_329 = arith.constant 0 : i32
      %dma_wait3A_330 = tpu.memref_slice %arg2[%dma_wait3A_328, %dma_wait3A_329] : memref<20000x128xf32, #tpu.memory_space<hbm>> -> memref<20000x128xf32, #tpu.memory_space<hbm>>
      tpu.wait_indirect_dma semaphore(%arg18 : memref<!tpu.dma_semaphore, #tpu.memory_space<semaphore_mem>>) src(%dma_wait3A_330 : memref<20000x128xf32, #tpu.memory_space<hbm>>) dst(%arg15 : memref<80x128xf32, #tpu.memory_space<vmem>>)
      "tpu.region"() ({
        %run_scoped3A = tpu.sem_alloc : memref<!tpu.dma_semaphore, #tpu.memory_space<semaphore_mem>>
        %dma_start3A_331 = arith.constant 0 : i32
        %dma_start3A_332 = arith.constant 0 : i32
        %dma_start3A_333 = tpu.memref_slice %arg9[%dma_start3A_331, %dma_start3A_332] : memref<10240x128xf32, #tpu.memory_space<vmem_shared>> -> memref<10240x128xf32, #tpu.memory_space<vmem_shared>>
        tpu.enqueue_indirect_dma source(%arg15 : memref<80x128xf32, #tpu.memory_space<vmem>>) target(%dma_start3A_333 : memref<10240x128xf32, #tpu.memory_space<vmem_shared>>) offsets(%arg13 : memref<80xi32, #tpu.memory_space<vmem>>) semaphore(%run_scoped3A : memref<!tpu.dma_semaphore, #tpu.memory_space<semaphore_mem>>) {add = true}
        %dma_wait3A_334 = arith.constant 0 : i32
        %dma_wait3A_335 = arith.constant 0 : i32
        %dma_wait3A_336 = tpu.memref_slice %arg9[%dma_wait3A_334, %dma_wait3A_335] : memref<10240x128xf32, #tpu.memory_space<vmem_shared>> -> memref<10240x128xf32, #tpu.memory_space<vmem_shared>>
        tpu.wait_indirect_dma semaphore(%run_scoped3A : memref<!tpu.dma_semaphore, #tpu.memory_space<semaphore_mem>>) src(%arg15 : memref<80x128xf32, #tpu.memory_space<vmem>>) dst(%dma_wait3A_336 : memref<10240x128xf32, #tpu.memory_space<vmem_shared>>)
        tpu.yield
      }) : () -> ()
    }
    %scan3A_71 = arith.constant 62 : i32
    %dma_wait3A = arith.constant 0 : i32
    %dma_wait3A_72 = arith.constant 0 : i32
    %dma_wait3A_73 = tpu.memref_slice %arg2[%dma_wait3A, %dma_wait3A_72] : memref<20000x128xf32, #tpu.memory_space<hbm>> -> memref<20000x128xf32, #tpu.memory_space<hbm>>
    tpu.wait_indirect_dma semaphore(%arg17 : memref<!tpu.dma_semaphore, #tpu.memory_space<semaphore_mem>>) src(%dma_wait3A_73 : memref<20000x128xf32, #tpu.memory_space<hbm>>) dst(%arg12 : memref<80x128xf32, #tpu.memory_space<vmem>>)
    "tpu.region"() ({
      %run_scoped3A = tpu.sem_alloc : memref<!tpu.dma_semaphore, #tpu.memory_space<semaphore_mem>>
      %dma_start3A_176 = arith.constant 0 : i32
      %dma_start3A_177 = arith.constant 0 : i32
      %dma_start3A_178 = tpu.memref_slice %arg9[%dma_start3A_176, %dma_start3A_177] : memref<10240x128xf32, #tpu.memory_space<vmem_shared>> -> memref<10240x128xf32, #tpu.memory_space<vmem_shared>>
      tpu.enqueue_indirect_dma source(%arg12 : memref<80x128xf32, #tpu.memory_space<vmem>>) target(%dma_start3A_178 : memref<10240x128xf32, #tpu.memory_space<vmem_shared>>) offsets(%arg10 : memref<80xi32, #tpu.memory_space<vmem>>) semaphore(%run_scoped3A : memref<!tpu.dma_semaphore, #tpu.memory_space<semaphore_mem>>) {add = true}
      %dma_wait3A_179 = arith.constant 0 : i32
      %dma_wait3A_180 = arith.constant 0 : i32
      %dma_wait3A_181 = tpu.memref_slice %arg9[%dma_wait3A_179, %dma_wait3A_180] : memref<10240x128xf32, #tpu.memory_space<vmem_shared>> -> memref<10240x128xf32, #tpu.memory_space<vmem_shared>>
      tpu.wait_indirect_dma semaphore(%run_scoped3A : memref<!tpu.dma_semaphore, #tpu.memory_space<semaphore_mem>>) src(%arg12 : memref<80x128xf32, #tpu.memory_space<vmem>>) dst(%dma_wait3A_181 : memref<10240x128xf32, #tpu.memory_space<vmem_shared>>)
      tpu.yield
    }) : () -> ()
    %barrier3A_74 = arith.constant 0 : index
    tpu.barrier barrier_id(%barrier3A_74)
    "tpu.region"() ({
      %run_scoped3A = tpu.sem_alloc : memref<!tpu.dma_semaphore, #tpu.memory_space<semaphore_mem>>
      %dma_start3A_176 = arith.constant 0 : i32
      %dma_start3A_177 = tpu.memref_slice %arg6[%arg0, %mul3A_0, %dma_start3A_176] : memref<2x10240x128xf32, #tpu.memory_space<hbm>> -> memref<1x640x128xf32, #tpu.memory_space<hbm>>
      %dma_start3A_178 = tpu.memref_squeeze %dma_start3A_177 : memref<1x640x128xf32, #tpu.memory_space<hbm>> -> memref<640x128xf32, #tpu.memory_space<hbm>>
      %dma_start3A_179 = arith.constant 0 : i32
      %dma_start3A_180 = tpu.memref_slice %arg9[%mul3A_0, %dma_start3A_179] : memref<10240x128xf32, #tpu.memory_space<vmem_shared>> -> memref<640x128xf32, #tpu.memory_space<vmem_shared>>
      tpu.enqueue_dma source(%dma_start3A_180 : memref<640x128xf32, #tpu.memory_space<vmem_shared>>) target(%dma_start3A_178 : memref<640x128xf32, #tpu.memory_space<hbm>>) target_semaphore(%run_scoped3A : memref<!tpu.dma_semaphore, #tpu.memory_space<semaphore_mem>>)
      %dma_wait3A_181 = arith.constant 0 : i32
      %dma_wait3A_182 = tpu.memref_slice %arg6[%arg0, %mul3A_0, %dma_wait3A_181] : memref<2x10240x128xf32, #tpu.memory_space<hbm>> -> memref<1x640x128xf32, #tpu.memory_space<hbm>>
      %dma_wait3A_183 = tpu.memref_squeeze %dma_wait3A_182 : memref<1x640x128xf32, #tpu.memory_space<hbm>> -> memref<640x128xf32, #tpu.memory_space<hbm>>
      %dma_wait3A_184 = arith.constant 0 : i32
      %dma_wait3A_185 = tpu.memref_slice %arg9[%mul3A_0, %dma_wait3A_184] : memref<10240x128xf32, #tpu.memory_space<vmem_shared>> -> memref<640x128xf32, #tpu.memory_space<vmem_shared>>
      tpu.wait_dma2 semaphore(%run_scoped3A : memref<!tpu.dma_semaphore, #tpu.memory_space<semaphore_mem>>) src(%dma_wait3A_185 : memref<640x128xf32, #tpu.memory_space<vmem_shared>>) dst(%dma_wait3A_183 : memref<640x128xf32, #tpu.memory_space<hbm>>)
      tpu.yield
    }) : () -> ()
    %barrier3A_75 = arith.constant 0 : index
    tpu.barrier barrier_id(%barrier3A_75)
    "tpu.region"() ({
      %run_scoped3A = tpu.sem_alloc : memref<!tpu.dma_semaphore, #tpu.memory_space<semaphore_mem>>
      %dma_start3A_176 = arith.constant 0 : i32
      %dma_start3A_177 = tpu.memref_slice %arg9[%mul3A_0, %dma_start3A_176] : memref<10240x128xf32, #tpu.memory_space<vmem_shared>> -> memref<640x128xf32, #tpu.memory_space<vmem_shared>>
      %dma_start3A_178 = arith.constant 0 : i32
      %dma_start3A_179 = tpu.memref_slice %arg4[%mul3A_0, %dma_start3A_178] : memref<10240x128xf32, #tpu.memory_space<hbm>> -> memref<640x128xf32, #tpu.memory_space<hbm>>
      tpu.enqueue_dma source(%dma_start3A_179 : memref<640x128xf32, #tpu.memory_space<hbm>>) target(%dma_start3A_177 : memref<640x128xf32, #tpu.memory_space<vmem_shared>>) target_semaphore(%run_scoped3A : memref<!tpu.dma_semaphore, #tpu.memory_space<semaphore_mem>>)
      %dma_wait3A_180 = arith.constant 0 : i32
      %dma_wait3A_181 = tpu.memref_slice %arg9[%mul3A_0, %dma_wait3A_180] : memref<10240x128xf32, #tpu.memory_space<vmem_shared>> -> memref<640x128xf32, #tpu.memory_space<vmem_shared>>
      %dma_wait3A_182 = arith.constant 0 : i32
      %dma_wait3A_183 = tpu.memref_slice %arg4[%mul3A_0, %dma_wait3A_182] : memref<10240x128xf32, #tpu.memory_space<hbm>> -> memref<640x128xf32, #tpu.memory_space<hbm>>
      tpu.wait_dma2 semaphore(%run_scoped3A : memref<!tpu.dma_semaphore, #tpu.memory_space<semaphore_mem>>) src(%dma_wait3A_183 : memref<640x128xf32, #tpu.memory_space<hbm>>) dst(%dma_wait3A_181 : memref<640x128xf32, #tpu.memory_space<vmem_shared>>)
      tpu.yield
    }) : () -> ()
    %barrier3A_76 = arith.constant 0 : index
    tpu.barrier barrier_id(%barrier3A_76)
    %add3A_77 = arith.constant 0 : i32
    %add3A_78 = arith.addi %mul3A_2, %add3A_77 : i32
    %add3A_79 = arith.constant 480000 : i32
    %add3A_80 = arith.addi %add3A_79, %add3A_78 : i32
    "tpu.region"() ({
      %run_scoped3A = tpu.sem_alloc : memref<!tpu.dma_semaphore, #tpu.memory_space<semaphore_mem>>
      %dma_start3A_176 = tpu.memref_slice %arg3[%add3A_80] : memref<640000xi32, #tpu.memory_space<hbm>> -> memref<80xi32, #tpu.memory_space<hbm>>
      %dma_start3A_177 = tpu.memref_slice %arg3[%add3A_80] : memref<640000xi32, #tpu.memory_space<hbm>> -> memref<80xi32, #tpu.memory_space<hbm>>
      tpu.enqueue_dma source(%dma_start3A_177 : memref<80xi32, #tpu.memory_space<hbm>>) target(%arg10 : memref<80xi32, #tpu.memory_space<vmem>>) target_semaphore(%run_scoped3A : memref<!tpu.dma_semaphore, #tpu.memory_space<semaphore_mem>>)
      %dma_wait3A_178 = tpu.memref_slice %arg3[%add3A_80] : memref<640000xi32, #tpu.memory_space<hbm>> -> memref<80xi32, #tpu.memory_space<hbm>>
      %dma_wait3A_179 = tpu.memref_slice %arg3[%add3A_80] : memref<640000xi32, #tpu.memory_space<hbm>> -> memref<80xi32, #tpu.memory_space<hbm>>
      tpu.wait_dma2 semaphore(%run_scoped3A : memref<!tpu.dma_semaphore, #tpu.memory_space<semaphore_mem>>) src(%dma_wait3A_179 : memref<80xi32, #tpu.memory_space<hbm>>) dst(%arg10 : memref<80xi32, #tpu.memory_space<vmem>>)
      tpu.yield
    }) : () -> ()
    %add3A_81 = arith.constant 320000 : i32
    %add3A_82 = arith.addi %add3A_81, %add3A_78 : i32
    "tpu.region"() ({
      %run_scoped3A = tpu.sem_alloc : memref<!tpu.dma_semaphore, #tpu.memory_space<semaphore_mem>>
      %dma_start3A_176 = tpu.memref_slice %arg3[%add3A_82] : memref<640000xi32, #tpu.memory_space<hbm>> -> memref<80xi32, #tpu.memory_space<hbm>>
      %dma_start3A_177 = tpu.memref_slice %arg3[%add3A_82] : memref<640000xi32, #tpu.memory_space<hbm>> -> memref<80xi32, #tpu.memory_space<hbm>>
      tpu.enqueue_dma source(%dma_start3A_177 : memref<80xi32, #tpu.memory_space<hbm>>) target(%arg11 : memref<80xi32, #tpu.memory_space<vmem>>) target_semaphore(%run_scoped3A : memref<!tpu.dma_semaphore, #tpu.memory_space<semaphore_mem>>)
      %dma_wait3A_178 = tpu.memref_slice %arg3[%add3A_82] : memref<640000xi32, #tpu.memory_space<hbm>> -> memref<80xi32, #tpu.memory_space<hbm>>
      %dma_wait3A_179 = tpu.memref_slice %arg3[%add3A_82] : memref<640000xi32, #tpu.memory_space<hbm>> -> memref<80xi32, #tpu.memory_space<hbm>>
      tpu.wait_dma2 semaphore(%run_scoped3A : memref<!tpu.dma_semaphore, #tpu.memory_space<semaphore_mem>>) src(%dma_wait3A_179 : memref<80xi32, #tpu.memory_space<hbm>>) dst(%arg11 : memref<80xi32, #tpu.memory_space<vmem>>)
      tpu.yield
    }) : () -> ()
    %get3A_83 = arith.constant 0 : index
    %get3A_84 = tpu.vector_load %arg11[%get3A_83] {strides = array<i32>} : memref<80xi32, #tpu.memory_space<vmem>>, vector<16xi32>,
    %get3A_85 = vector.shape_cast %get3A_84 : vector<16xi32> to vector<16xi32>
    %mul3A_86 = arith.constant 2 : i32
    %mul3A_87 = vector.broadcast %mul3A_86 : i32 to vector<16xi32>
    %mul3A_88 = arith.muli %get3A_85, %mul3A_87 : vector<16xi32>
    %add3A_89 = vector.broadcast %arg0 : i32 to vector<16xi32>
    %add3A_90 = arith.addi %mul3A_88, %add3A_89 : vector<16xi32>
    %swap3A_91 = arith.constant 0 : index
    %swap3A_92 = tpu.vector_load %arg11[%swap3A_91] {strides = array<i32>} : memref<80xi32, #tpu.memory_space<vmem>>, vector<16xi32>,
    %swap3A_93 = vector.shape_cast %swap3A_92 : vector<16xi32> to vector<16xi32>
    %swap3A_94 = vector.shape_cast %add3A_90 : vector<16xi32> to vector<16xi32>
    tpu.vector_store %arg11[%swap3A_91], %swap3A_94 {strides = array<i32>} : memref<80xi32, #tpu.memory_space<vmem>>, vector<16xi32>,
    %get3A_95 = arith.constant 16 : index
    %get3A_96 = tpu.vector_load %arg11[%get3A_95] {strides = array<i32>} : memref<80xi32, #tpu.memory_space<vmem>>, vector<16xi32>,
    %get3A_97 = vector.shape_cast %get3A_96 : vector<16xi32> to vector<16xi32>
    %mul3A_98 = arith.constant 2 : i32
    %mul3A_99 = vector.broadcast %mul3A_98 : i32 to vector<16xi32>
    %mul3A_100 = arith.muli %get3A_97, %mul3A_99 : vector<16xi32>
    %add3A_101 = vector.broadcast %arg0 : i32 to vector<16xi32>
    %add3A_102 = arith.addi %mul3A_100, %add3A_101 : vector<16xi32>
    %swap3A_103 = arith.constant 16 : index
    %swap3A_104 = tpu.vector_load %arg11[%swap3A_103] {strides = array<i32>} : memref<80xi32, #tpu.memory_space<vmem>>, vector<16xi32>,
    %swap3A_105 = vector.shape_cast %swap3A_104 : vector<16xi32> to vector<16xi32>
    %swap3A_106 = vector.shape_cast %add3A_102 : vector<16xi32> to vector<16xi32>
    tpu.vector_store %arg11[%swap3A_103], %swap3A_106 {strides = array<i32>} : memref<80xi32, #tpu.memory_space<vmem>>, vector<16xi32>,
    %get3A_107 = arith.constant 32 : index
    %get3A_108 = tpu.vector_load %arg11[%get3A_107] {strides = array<i32>} : memref<80xi32, #tpu.memory_space<vmem>>, vector<16xi32>,
    %get3A_109 = vector.shape_cast %get3A_108 : vector<16xi32> to vector<16xi32>
    %mul3A_110 = arith.constant 2 : i32
    %mul3A_111 = vector.broadcast %mul3A_110 : i32 to vector<16xi32>
    %mul3A_112 = arith.muli %get3A_109, %mul3A_111 : vector<16xi32>
    %add3A_113 = vector.broadcast %arg0 : i32 to vector<16xi32>
    %add3A_114 = arith.addi %mul3A_112, %add3A_113 : vector<16xi32>
    %swap3A_115 = arith.constant 32 : index
    %swap3A_116 = tpu.vector_load %arg11[%swap3A_115] {strides = array<i32>} : memref<80xi32, #tpu.memory_space<vmem>>, vector<16xi32>,
    %swap3A_117 = vector.shape_cast %swap3A_116 : vector<16xi32> to vector<16xi32>
    %swap3A_118 = vector.shape_cast %add3A_114 : vector<16xi32> to vector<16xi32>
    tpu.vector_store %arg11[%swap3A_115], %swap3A_118 {strides = array<i32>} : memref<80xi32, #tpu.memory_space<vmem>>, vector<16xi32>,
    %get3A_119 = arith.constant 48 : index
    %get3A_120 = tpu.vector_load %arg11[%get3A_119] {strides = array<i32>} : memref<80xi32, #tpu.memory_space<vmem>>, vector<16xi32>,
    %get3A_121 = vector.shape_cast %get3A_120 : vector<16xi32> to vector<16xi32>
    %mul3A_122 = arith.constant 2 : i32
    %mul3A_123 = vector.broadcast %mul3A_122 : i32 to vector<16xi32>
    %mul3A_124 = arith.muli %get3A_121, %mul3A_123 : vector<16xi32>
    %add3A_125 = vector.broadcast %arg0 : i32 to vector<16xi32>
    %add3A_126 = arith.addi %mul3A_124, %add3A_125 : vector<16xi32>
    %swap3A_127 = arith.constant 48 : index
    %swap3A_128 = tpu.vector_load %arg11[%swap3A_127] {strides = array<i32>} : memref<80xi32, #tpu.memory_space<vmem>>, vector<16xi32>,
    %swap3A_129 = vector.shape_cast %swap3A_128 : vector<16xi32> to vector<16xi32>
    %swap3A_130 = vector.shape_cast %add3A_126 : vector<16xi32> to vector<16xi32>
    tpu.vector_store %arg11[%swap3A_127], %swap3A_130 {strides = array<i32>} : memref<80xi32, #tpu.memory_space<vmem>>, vector<16xi32>,
    %get3A_131 = arith.constant 64 : index
    %get3A_132 = tpu.vector_load %arg11[%get3A_131] {strides = array<i32>} : memref<80xi32, #tpu.memory_space<vmem>>, vector<16xi32>,
    %get3A_133 = vector.shape_cast %get3A_132 : vector<16xi32> to vector<16xi32>
    %mul3A_134 = arith.constant 2 : i32
    %mul3A_135 = vector.broadcast %mul3A_134 : i32 to vector<16xi32>
    %mul3A_136 = arith.muli %get3A_133, %mul3A_135 : vector<16xi32>
    %add3A_137 = vector.broadcast %arg0 : i32 to vector<16xi32>
    %add3A_138 = arith.addi %mul3A_136, %add3A_137 : vector<16xi32>
    %swap3A_139 = arith.constant 64 : index
    %swap3A_140 = tpu.vector_load %arg11[%swap3A_139] {strides = array<i32>} : memref<80xi32, #tpu.memory_space<vmem>>, vector<16xi32>,
    %swap3A_141 = vector.shape_cast %swap3A_140 : vector<16xi32> to vector<16xi32>
    %swap3A_142 = vector.shape_cast %add3A_138 : vector<16xi32> to vector<16xi32>
    tpu.vector_store %arg11[%swap3A_139], %swap3A_142 {strides = array<i32>} : memref<80xi32, #tpu.memory_space<vmem>>, vector<16xi32>,
    %dma_start3A_143 = arith.constant 0 : i32
    %dma_start3A_144 = arith.constant 0 : i32
    %dma_start3A_145 = tpu.memref_slice %arg2[%dma_start3A_143, %dma_start3A_144] : memref<20000x128xf32, #tpu.memory_space<hbm>> -> memref<20000x128xf32, #tpu.memory_space<hbm>>
    tpu.enqueue_indirect_dma source(%dma_start3A_145 : memref<20000x128xf32, #tpu.memory_space<hbm>>) target(%arg12 : memref<80x128xf32, #tpu.memory_space<vmem>>) offsets(%arg11 : memref<80xi32, #tpu.memory_space<vmem>>) semaphore(%arg17 : memref<!tpu.dma_semaphore, #tpu.memory_space<semaphore_mem>>)
    %scan3A_146 = arith.constant 0 : i32
    %scan3A_147 = arith.constant 62 : i32
    %scan3A_148 = arith.addi %scan3A_146, %scan3A_147 : i32
    %scan3A_149 = arith.constant 1 : i32
    scf.for %scan3A_176 = %scan3A_146 to %scan3A_148 step %scan3A_149  : i32 {
      %mul3A_177 = arith.constant 2 : i32
      %mul3A_178 = arith.muli %mul3A_177, %scan3A_176 : i32
      %add3A_179 = arith.constant 1 : i32
      %add3A_180 = arith.addi %mul3A_178, %add3A_179 : i32
      %mul3A_181 = arith.constant 80 : i32
      %mul3A_182 = arith.muli %add3A_180, %mul3A_181 : i32
      %add3A_183 = arith.addi %mul3A_2, %mul3A_182 : i32
      %add3A_184 = arith.constant 480000 : i32
      %add3A_185 = arith.addi %add3A_184, %add3A_183 : i32
      "tpu.region"() ({
        %run_scoped3A = tpu.sem_alloc : memref<!tpu.dma_semaphore, #tpu.memory_space<semaphore_mem>>
        %dma_start3A_331 = tpu.memref_slice %arg3[%add3A_185] : memref<640000xi32, #tpu.memory_space<hbm>> -> memref<80xi32, #tpu.memory_space<hbm>>
        %dma_start3A_332 = tpu.memref_slice %arg3[%add3A_185] : memref<640000xi32, #tpu.memory_space<hbm>> -> memref<80xi32, #tpu.memory_space<hbm>>
        tpu.enqueue_dma source(%dma_start3A_332 : memref<80xi32, #tpu.memory_space<hbm>>) target(%arg13 : memref<80xi32, #tpu.memory_space<vmem>>) target_semaphore(%run_scoped3A : memref<!tpu.dma_semaphore, #tpu.memory_space<semaphore_mem>>)
        %dma_wait3A_333 = tpu.memref_slice %arg3[%add3A_185] : memref<640000xi32, #tpu.memory_space<hbm>> -> memref<80xi32, #tpu.memory_space<hbm>>
        %dma_wait3A_334 = tpu.memref_slice %arg3[%add3A_185] : memref<640000xi32, #tpu.memory_space<hbm>> -> memref<80xi32, #tpu.memory_space<hbm>>
        tpu.wait_dma2 semaphore(%run_scoped3A : memref<!tpu.dma_semaphore, #tpu.memory_space<semaphore_mem>>) src(%dma_wait3A_334 : memref<80xi32, #tpu.memory_space<hbm>>) dst(%arg13 : memref<80xi32, #tpu.memory_space<vmem>>)
        tpu.yield
      }) : () -> ()
      %add3A_186 = arith.constant 320000 : i32
      %add3A_187 = arith.addi %add3A_186, %add3A_183 : i32
      "tpu.region"() ({
        %run_scoped3A = tpu.sem_alloc : memref<!tpu.dma_semaphore, #tpu.memory_space<semaphore_mem>>
        %dma_start3A_331 = tpu.memref_slice %arg3[%add3A_187] : memref<640000xi32, #tpu.memory_space<hbm>> -> memref<80xi32, #tpu.memory_space<hbm>>
        %dma_start3A_332 = tpu.memref_slice %arg3[%add3A_187] : memref<640000xi32, #tpu.memory_space<hbm>> -> memref<80xi32, #tpu.memory_space<hbm>>
        tpu.enqueue_dma source(%dma_start3A_332 : memref<80xi32, #tpu.memory_space<hbm>>) target(%arg14 : memref<80xi32, #tpu.memory_space<vmem>>) target_semaphore(%run_scoped3A : memref<!tpu.dma_semaphore, #tpu.memory_space<semaphore_mem>>)
        %dma_wait3A_333 = tpu.memref_slice %arg3[%add3A_187] : memref<640000xi32, #tpu.memory_space<hbm>> -> memref<80xi32, #tpu.memory_space<hbm>>
        %dma_wait3A_334 = tpu.memref_slice %arg3[%add3A_187] : memref<640000xi32, #tpu.memory_space<hbm>> -> memref<80xi32, #tpu.memory_space<hbm>>
        tpu.wait_dma2 semaphore(%run_scoped3A : memref<!tpu.dma_semaphore, #tpu.memory_space<semaphore_mem>>) src(%dma_wait3A_334 : memref<80xi32, #tpu.memory_space<hbm>>) dst(%arg14 : memref<80xi32, #tpu.memory_space<vmem>>)
        tpu.yield
      }) : () -> ()
      %get3A_188 = arith.constant 0 : index
      %get3A_189 = tpu.vector_load %arg14[%get3A_188] {strides = array<i32>} : memref<80xi32, #tpu.memory_space<vmem>>, vector<16xi32>,
      %get3A_190 = vector.shape_cast %get3A_189 : vector<16xi32> to vector<16xi32>
      %mul3A_191 = arith.constant 2 : i32
      %mul3A_192 = vector.broadcast %mul3A_191 : i32 to vector<16xi32>
      %mul3A_193 = arith.muli %get3A_190, %mul3A_192 : vector<16xi32>
      %add3A_194 = vector.broadcast %arg0 : i32 to vector<16xi32>
      %add3A_195 = arith.addi %mul3A_193, %add3A_194 : vector<16xi32>
      %swap3A_196 = arith.constant 0 : index
      %swap3A_197 = tpu.vector_load %arg14[%swap3A_196] {strides = array<i32>} : memref<80xi32, #tpu.memory_space<vmem>>, vector<16xi32>,
      %swap3A_198 = vector.shape_cast %swap3A_197 : vector<16xi32> to vector<16xi32>
      %swap3A_199 = vector.shape_cast %add3A_195 : vector<16xi32> to vector<16xi32>
      tpu.vector_store %arg14[%swap3A_196], %swap3A_199 {strides = array<i32>} : memref<80xi32, #tpu.memory_space<vmem>>, vector<16xi32>,
      %get3A_200 = arith.constant 16 : index
      %get3A_201 = tpu.vector_load %arg14[%get3A_200] {strides = array<i32>} : memref<80xi32, #tpu.memory_space<vmem>>, vector<16xi32>,
      %get3A_202 = vector.shape_cast %get3A_201 : vector<16xi32> to vector<16xi32>
      %mul3A_203 = arith.constant 2 : i32
      %mul3A_204 = vector.broadcast %mul3A_203 : i32 to vector<16xi32>
      %mul3A_205 = arith.muli %get3A_202, %mul3A_204 : vector<16xi32>
      %add3A_206 = vector.broadcast %arg0 : i32 to vector<16xi32>
      %add3A_207 = arith.addi %mul3A_205, %add3A_206 : vector<16xi32>
      %swap3A_208 = arith.constant 16 : index
      %swap3A_209 = tpu.vector_load %arg14[%swap3A_208] {strides = array<i32>} : memref<80xi32, #tpu.memory_space<vmem>>, vector<16xi32>,
      %swap3A_210 = vector.shape_cast %swap3A_209 : vector<16xi32> to vector<16xi32>
      %swap3A_211 = vector.shape_cast %add3A_207 : vector<16xi32> to vector<16xi32>
      tpu.vector_store %arg14[%swap3A_208], %swap3A_211 {strides = array<i32>} : memref<80xi32, #tpu.memory_space<vmem>>, vector<16xi32>,
      %get3A_212 = arith.constant 32 : index
      %get3A_213 = tpu.vector_load %arg14[%get3A_212] {strides = array<i32>} : memref<80xi32, #tpu.memory_space<vmem>>, vector<16xi32>,
      %get3A_214 = vector.shape_cast %get3A_213 : vector<16xi32> to vector<16xi32>
      %mul3A_215 = arith.constant 2 : i32
      %mul3A_216 = vector.broadcast %mul3A_215 : i32 to vector<16xi32>
      %mul3A_217 = arith.muli %get3A_214, %mul3A_216 : vector<16xi32>
      %add3A_218 = vector.broadcast %arg0 : i32 to vector<16xi32>
      %add3A_219 = arith.addi %mul3A_217, %add3A_218 : vector<16xi32>
      %swap3A_220 = arith.constant 32 : index
      %swap3A_221 = tpu.vector_load %arg14[%swap3A_220] {strides = array<i32>} : memref<80xi32, #tpu.memory_space<vmem>>, vector<16xi32>,
      %swap3A_222 = vector.shape_cast %swap3A_221 : vector<16xi32> to vector<16xi32>
      %swap3A_223 = vector.shape_cast %add3A_219 : vector<16xi32> to vector<16xi32>
      tpu.vector_store %arg14[%swap3A_220], %swap3A_223 {strides = array<i32>} : memref<80xi32, #tpu.memory_space<vmem>>, vector<16xi32>,
      %get3A_224 = arith.constant 48 : index
      %get3A_225 = tpu.vector_load %arg14[%get3A_224] {strides = array<i32>} : memref<80xi32, #tpu.memory_space<vmem>>, vector<16xi32>,
      %get3A_226 = vector.shape_cast %get3A_225 : vector<16xi32> to vector<16xi32>
      %mul3A_227 = arith.constant 2 : i32
      %mul3A_228 = vector.broadcast %mul3A_227 : i32 to vector<16xi32>
      %mul3A_229 = arith.muli %get3A_226, %mul3A_228 : vector<16xi32>
      %add3A_230 = vector.broadcast %arg0 : i32 to vector<16xi32>
      %add3A_231 = arith.addi %mul3A_229, %add3A_230 : vector<16xi32>
      %swap3A_232 = arith.constant 48 : index
      %swap3A_233 = tpu.vector_load %arg14[%swap3A_232] {strides = array<i32>} : memref<80xi32, #tpu.memory_space<vmem>>, vector<16xi32>,
      %swap3A_234 = vector.shape_cast %swap3A_233 : vector<16xi32> to vector<16xi32>
      %swap3A_235 = vector.shape_cast %add3A_231 : vector<16xi32> to vector<16xi32>
      tpu.vector_store %arg14[%swap3A_232], %swap3A_235 {strides = array<i32>} : memref<80xi32, #tpu.memory_space<vmem>>, vector<16xi32>,
      %get3A_236 = arith.constant 64 : index
      %get3A_237 = tpu.vector_load %arg14[%get3A_236] {strides = array<i32>} : memref<80xi32, #tpu.memory_space<vmem>>, vector<16xi32>,
      %get3A_238 = vector.shape_cast %get3A_237 : vector<16xi32> to vector<16xi32>
      %mul3A_239 = arith.constant 2 : i32
      %mul3A_240 = vector.broadcast %mul3A_239 : i32 to vector<16xi32>
      %mul3A_241 = arith.muli %get3A_238, %mul3A_240 : vector<16xi32>
      %add3A_242 = vector.broadcast %arg0 : i32 to vector<16xi32>
      %add3A_243 = arith.addi %mul3A_241, %add3A_242 : vector<16xi32>
      %swap3A_244 = arith.constant 64 : index
      %swap3A_245 = tpu.vector_load %arg14[%swap3A_244] {strides = array<i32>} : memref<80xi32, #tpu.memory_space<vmem>>, vector<16xi32>,
      %swap3A_246 = vector.shape_cast %swap3A_245 : vector<16xi32> to vector<16xi32>
      %swap3A_247 = vector.shape_cast %add3A_243 : vector<16xi32> to vector<16xi32>
      tpu.vector_store %arg14[%swap3A_244], %swap3A_247 {strides = array<i32>} : memref<80xi32, #tpu.memory_space<vmem>>, vector<16xi32>,
      %dma_start3A_248 = arith.constant 0 : i32
      %dma_start3A_249 = arith.constant 0 : i32
      %dma_start3A_250 = tpu.memref_slice %arg2[%dma_start3A_248, %dma_start3A_249] : memref<20000x128xf32, #tpu.memory_space<hbm>> -> memref<20000x128xf32, #tpu.memory_space<hbm>>
      tpu.enqueue_indirect_dma source(%dma_start3A_250 : memref<20000x128xf32, #tpu.memory_space<hbm>>) target(%arg15 : memref<80x128xf32, #tpu.memory_space<vmem>>) offsets(%arg14 : memref<80xi32, #tpu.memory_space<vmem>>) semaphore(%arg18 : memref<!tpu.dma_semaphore, #tpu.memory_space<semaphore_mem>>)
      %dma_wait3A_251 = arith.constant 0 : i32
      %dma_wait3A_252 = arith.constant 0 : i32
      %dma_wait3A_253 = tpu.memref_slice %arg2[%dma_wait3A_251, %dma_wait3A_252] : memref<20000x128xf32, #tpu.memory_space<hbm>> -> memref<20000x128xf32, #tpu.memory_space<hbm>>
      tpu.wait_indirect_dma semaphore(%arg17 : memref<!tpu.dma_semaphore, #tpu.memory_space<semaphore_mem>>) src(%dma_wait3A_253 : memref<20000x128xf32, #tpu.memory_space<hbm>>) dst(%arg12 : memref<80x128xf32, #tpu.memory_space<vmem>>)
      "tpu.region"() ({
        %run_scoped3A = tpu.sem_alloc : memref<!tpu.dma_semaphore, #tpu.memory_space<semaphore_mem>>
        %dma_start3A_331 = arith.constant 0 : i32
        %dma_start3A_332 = arith.constant 0 : i32
        %dma_start3A_333 = tpu.memref_slice %arg9[%dma_start3A_331, %dma_start3A_332] : memref<10240x128xf32, #tpu.memory_space<vmem_shared>> -> memref<10240x128xf32, #tpu.memory_space<vmem_shared>>
        tpu.enqueue_indirect_dma source(%arg12 : memref<80x128xf32, #tpu.memory_space<vmem>>) target(%dma_start3A_333 : memref<10240x128xf32, #tpu.memory_space<vmem_shared>>) offsets(%arg10 : memref<80xi32, #tpu.memory_space<vmem>>) semaphore(%run_scoped3A : memref<!tpu.dma_semaphore, #tpu.memory_space<semaphore_mem>>) {add = true}
        %dma_wait3A_334 = arith.constant 0 : i32
        %dma_wait3A_335 = arith.constant 0 : i32
        %dma_wait3A_336 = tpu.memref_slice %arg9[%dma_wait3A_334, %dma_wait3A_335] : memref<10240x128xf32, #tpu.memory_space<vmem_shared>> -> memref<10240x128xf32, #tpu.memory_space<vmem_shared>>
        tpu.wait_indirect_dma semaphore(%run_scoped3A : memref<!tpu.dma_semaphore, #tpu.memory_space<semaphore_mem>>) src(%arg12 : memref<80x128xf32, #tpu.memory_space<vmem>>) dst(%dma_wait3A_336 : memref<10240x128xf32, #tpu.memory_space<vmem_shared>>)
        tpu.yield
      }) : () -> ()
      %mul3A_254 = arith.constant 2 : i32
      %mul3A_255 = arith.muli %mul3A_254, %scan3A_176 : i32
      %add3A_256 = arith.constant 2 : i32
      %add3A_257 = arith.addi %mul3A_255, %add3A_256 : i32
      %mul3A_258 = arith.constant 80 : i32
      %mul3A_259 = arith.muli %add3A_257, %mul3A_258 : i32
      %add3A_260 = arith.addi %mul3A_2, %mul3A_259 : i32
      %add3A_261 = arith.constant 480000 : i32
      %add3A_262 = arith.addi %add3A_261, %add3A_260 : i32
      "tpu.region"() ({
        %run_scoped3A = tpu.sem_alloc : memref<!tpu.dma_semaphore, #tpu.memory_space<semaphore_mem>>
        %dma_start3A_331 = tpu.memref_slice %arg3[%add3A_262] : memref<640000xi32, #tpu.memory_space<hbm>> -> memref<80xi32, #tpu.memory_space<hbm>>
        %dma_start3A_332 = tpu.memref_slice %arg3[%add3A_262] : memref<640000xi32, #tpu.memory_space<hbm>> -> memref<80xi32, #tpu.memory_space<hbm>>
        tpu.enqueue_dma source(%dma_start3A_332 : memref<80xi32, #tpu.memory_space<hbm>>) target(%arg10 : memref<80xi32, #tpu.memory_space<vmem>>) target_semaphore(%run_scoped3A : memref<!tpu.dma_semaphore, #tpu.memory_space<semaphore_mem>>)
        %dma_wait3A_333 = tpu.memref_slice %arg3[%add3A_262] : memref<640000xi32, #tpu.memory_space<hbm>> -> memref<80xi32, #tpu.memory_space<hbm>>
        %dma_wait3A_334 = tpu.memref_slice %arg3[%add3A_262] : memref<640000xi32, #tpu.memory_space<hbm>> -> memref<80xi32, #tpu.memory_space<hbm>>
        tpu.wait_dma2 semaphore(%run_scoped3A : memref<!tpu.dma_semaphore, #tpu.memory_space<semaphore_mem>>) src(%dma_wait3A_334 : memref<80xi32, #tpu.memory_space<hbm>>) dst(%arg10 : memref<80xi32, #tpu.memory_space<vmem>>)
        tpu.yield
      }) : () -> ()
      %add3A_263 = arith.constant 320000 : i32
      %add3A_264 = arith.addi %add3A_263, %add3A_260 : i32
      "tpu.region"() ({
        %run_scoped3A = tpu.sem_alloc : memref<!tpu.dma_semaphore, #tpu.memory_space<semaphore_mem>>
        %dma_start3A_331 = tpu.memref_slice %arg3[%add3A_264] : memref<640000xi32, #tpu.memory_space<hbm>> -> memref<80xi32, #tpu.memory_space<hbm>>
        %dma_start3A_332 = tpu.memref_slice %arg3[%add3A_264] : memref<640000xi32, #tpu.memory_space<hbm>> -> memref<80xi32, #tpu.memory_space<hbm>>
        tpu.enqueue_dma source(%dma_start3A_332 : memref<80xi32, #tpu.memory_space<hbm>>) target(%arg11 : memref<80xi32, #tpu.memory_space<vmem>>) target_semaphore(%run_scoped3A : memref<!tpu.dma_semaphore, #tpu.memory_space<semaphore_mem>>)
        %dma_wait3A_333 = tpu.memref_slice %arg3[%add3A_264] : memref<640000xi32, #tpu.memory_space<hbm>> -> memref<80xi32, #tpu.memory_space<hbm>>
        %dma_wait3A_334 = tpu.memref_slice %arg3[%add3A_264] : memref<640000xi32, #tpu.memory_space<hbm>> -> memref<80xi32, #tpu.memory_space<hbm>>
        tpu.wait_dma2 semaphore(%run_scoped3A : memref<!tpu.dma_semaphore, #tpu.memory_space<semaphore_mem>>) src(%dma_wait3A_334 : memref<80xi32, #tpu.memory_space<hbm>>) dst(%arg11 : memref<80xi32, #tpu.memory_space<vmem>>)
        tpu.yield
      }) : () -> ()
      %get3A_265 = arith.constant 0 : index
      %get3A_266 = tpu.vector_load %arg11[%get3A_265] {strides = array<i32>} : memref<80xi32, #tpu.memory_space<vmem>>, vector<16xi32>,
      %get3A_267 = vector.shape_cast %get3A_266 : vector<16xi32> to vector<16xi32>
      %mul3A_268 = arith.constant 2 : i32
      %mul3A_269 = vector.broadcast %mul3A_268 : i32 to vector<16xi32>
      %mul3A_270 = arith.muli %get3A_267, %mul3A_269 : vector<16xi32>
      %add3A_271 = vector.broadcast %arg0 : i32 to vector<16xi32>
      %add3A_272 = arith.addi %mul3A_270, %add3A_271 : vector<16xi32>
      %swap3A_273 = arith.constant 0 : index
      %swap3A_274 = tpu.vector_load %arg11[%swap3A_273] {strides = array<i32>} : memref<80xi32, #tpu.memory_space<vmem>>, vector<16xi32>,
      %swap3A_275 = vector.shape_cast %swap3A_274 : vector<16xi32> to vector<16xi32>
      %swap3A_276 = vector.shape_cast %add3A_272 : vector<16xi32> to vector<16xi32>
      tpu.vector_store %arg11[%swap3A_273], %swap3A_276 {strides = array<i32>} : memref<80xi32, #tpu.memory_space<vmem>>, vector<16xi32>,
      %get3A_277 = arith.constant 16 : index
      %get3A_278 = tpu.vector_load %arg11[%get3A_277] {strides = array<i32>} : memref<80xi32, #tpu.memory_space<vmem>>, vector<16xi32>,
      %get3A_279 = vector.shape_cast %get3A_278 : vector<16xi32> to vector<16xi32>
      %mul3A_280 = arith.constant 2 : i32
      %mul3A_281 = vector.broadcast %mul3A_280 : i32 to vector<16xi32>
      %mul3A_282 = arith.muli %get3A_279, %mul3A_281 : vector<16xi32>
      %add3A_283 = vector.broadcast %arg0 : i32 to vector<16xi32>
      %add3A_284 = arith.addi %mul3A_282, %add3A_283 : vector<16xi32>
      %swap3A_285 = arith.constant 16 : index
      %swap3A_286 = tpu.vector_load %arg11[%swap3A_285] {strides = array<i32>} : memref<80xi32, #tpu.memory_space<vmem>>, vector<16xi32>,
      %swap3A_287 = vector.shape_cast %swap3A_286 : vector<16xi32> to vector<16xi32>
      %swap3A_288 = vector.shape_cast %add3A_284 : vector<16xi32> to vector<16xi32>
      tpu.vector_store %arg11[%swap3A_285], %swap3A_288 {strides = array<i32>} : memref<80xi32, #tpu.memory_space<vmem>>, vector<16xi32>,
      %get3A_289 = arith.constant 32 : index
      %get3A_290 = tpu.vector_load %arg11[%get3A_289] {strides = array<i32>} : memref<80xi32, #tpu.memory_space<vmem>>, vector<16xi32>,
      %get3A_291 = vector.shape_cast %get3A_290 : vector<16xi32> to vector<16xi32>
      %mul3A_292 = arith.constant 2 : i32
      %mul3A_293 = vector.broadcast %mul3A_292 : i32 to vector<16xi32>
      %mul3A_294 = arith.muli %get3A_291, %mul3A_293 : vector<16xi32>
      %add3A_295 = vector.broadcast %arg0 : i32 to vector<16xi32>
      %add3A_296 = arith.addi %mul3A_294, %add3A_295 : vector<16xi32>
      %swap3A_297 = arith.constant 32 : index
      %swap3A_298 = tpu.vector_load %arg11[%swap3A_297] {strides = array<i32>} : memref<80xi32, #tpu.memory_space<vmem>>, vector<16xi32>,
      %swap3A_299 = vector.shape_cast %swap3A_298 : vector<16xi32> to vector<16xi32>
      %swap3A_300 = vector.shape_cast %add3A_296 : vector<16xi32> to vector<16xi32>
      tpu.vector_store %arg11[%swap3A_297], %swap3A_300 {strides = array<i32>} : memref<80xi32, #tpu.memory_space<vmem>>, vector<16xi32>,
      %get3A_301 = arith.constant 48 : index
      %get3A_302 = tpu.vector_load %arg11[%get3A_301] {strides = array<i32>} : memref<80xi32, #tpu.memory_space<vmem>>, vector<16xi32>,
      %get3A_303 = vector.shape_cast %get3A_302 : vector<16xi32> to vector<16xi32>
      %mul3A_304 = arith.constant 2 : i32
      %mul3A_305 = vector.broadcast %mul3A_304 : i32 to vector<16xi32>
      %mul3A_306 = arith.muli %get3A_303, %mul3A_305 : vector<16xi32>
      %add3A_307 = vector.broadcast %arg0 : i32 to vector<16xi32>
      %add3A_308 = arith.addi %mul3A_306, %add3A_307 : vector<16xi32>
      %swap3A_309 = arith.constant 48 : index
      %swap3A_310 = tpu.vector_load %arg11[%swap3A_309] {strides = array<i32>} : memref<80xi32, #tpu.memory_space<vmem>>, vector<16xi32>,
      %swap3A_311 = vector.shape_cast %swap3A_310 : vector<16xi32> to vector<16xi32>
      %swap3A_312 = vector.shape_cast %add3A_308 : vector<16xi32> to vector<16xi32>
      tpu.vector_store %arg11[%swap3A_309], %swap3A_312 {strides = array<i32>} : memref<80xi32, #tpu.memory_space<vmem>>, vector<16xi32>,
      %get3A_313 = arith.constant 64 : index
      %get3A_314 = tpu.vector_load %arg11[%get3A_313] {strides = array<i32>} : memref<80xi32, #tpu.memory_space<vmem>>, vector<16xi32>,
      %get3A_315 = vector.shape_cast %get3A_314 : vector<16xi32> to vector<16xi32>
      %mul3A_316 = arith.constant 2 : i32
      %mul3A_317 = vector.broadcast %mul3A_316 : i32 to vector<16xi32>
      %mul3A_318 = arith.muli %get3A_315, %mul3A_317 : vector<16xi32>
      %add3A_319 = vector.broadcast %arg0 : i32 to vector<16xi32>
      %add3A_320 = arith.addi %mul3A_318, %add3A_319 : vector<16xi32>
      %swap3A_321 = arith.constant 64 : index
      %swap3A_322 = tpu.vector_load %arg11[%swap3A_321] {strides = array<i32>} : memref<80xi32, #tpu.memory_space<vmem>>, vector<16xi32>,
      %swap3A_323 = vector.shape_cast %swap3A_322 : vector<16xi32> to vector<16xi32>
      %swap3A_324 = vector.shape_cast %add3A_320 : vector<16xi32> to vector<16xi32>
      tpu.vector_store %arg11[%swap3A_321], %swap3A_324 {strides = array<i32>} : memref<80xi32, #tpu.memory_space<vmem>>, vector<16xi32>,
      %dma_start3A_325 = arith.constant 0 : i32
      %dma_start3A_326 = arith.constant 0 : i32
      %dma_start3A_327 = tpu.memref_slice %arg2[%dma_start3A_325, %dma_start3A_326] : memref<20000x128xf32, #tpu.memory_space<hbm>> -> memref<20000x128xf32, #tpu.memory_space<hbm>>
      tpu.enqueue_indirect_dma source(%dma_start3A_327 : memref<20000x128xf32, #tpu.memory_space<hbm>>) target(%arg12 : memref<80x128xf32, #tpu.memory_space<vmem>>) offsets(%arg11 : memref<80xi32, #tpu.memory_space<vmem>>) semaphore(%arg17 : memref<!tpu.dma_semaphore, #tpu.memory_space<semaphore_mem>>)
      %dma_wait3A_328 = arith.constant 0 : i32
      %dma_wait3A_329 = arith.constant 0 : i32
      %dma_wait3A_330 = tpu.memref_slice %arg2[%dma_wait3A_328, %dma_wait3A_329] : memref<20000x128xf32, #tpu.memory_space<hbm>> -> memref<20000x128xf32, #tpu.memory_space<hbm>>
      tpu.wait_indirect_dma semaphore(%arg18 : memref<!tpu.dma_semaphore, #tpu.memory_space<semaphore_mem>>) src(%dma_wait3A_330 : memref<20000x128xf32, #tpu.memory_space<hbm>>) dst(%arg15 : memref<80x128xf32, #tpu.memory_space<vmem>>)
      "tpu.region"() ({
        %run_scoped3A = tpu.sem_alloc : memref<!tpu.dma_semaphore, #tpu.memory_space<semaphore_mem>>
        %dma_start3A_331 = arith.constant 0 : i32
        %dma_start3A_332 = arith.constant 0 : i32
        %dma_start3A_333 = tpu.memref_slice %arg9[%dma_start3A_331, %dma_start3A_332] : memref<10240x128xf32, #tpu.memory_space<vmem_shared>> -> memref<10240x128xf32, #tpu.memory_space<vmem_shared>>
        tpu.enqueue_indirect_dma source(%arg15 : memref<80x128xf32, #tpu.memory_space<vmem>>) target(%dma_start3A_333 : memref<10240x128xf32, #tpu.memory_space<vmem_shared>>) offsets(%arg13 : memref<80xi32, #tpu.memory_space<vmem>>) semaphore(%run_scoped3A : memref<!tpu.dma_semaphore, #tpu.memory_space<semaphore_mem>>) {add = true}
        %dma_wait3A_334 = arith.constant 0 : i32
        %dma_wait3A_335 = arith.constant 0 : i32
        %dma_wait3A_336 = tpu.memref_slice %arg9[%dma_wait3A_334, %dma_wait3A_335] : memref<10240x128xf32, #tpu.memory_space<vmem_shared>> -> memref<10240x128xf32, #tpu.memory_space<vmem_shared>>
        tpu.wait_indirect_dma semaphore(%run_scoped3A : memref<!tpu.dma_semaphore, #tpu.memory_space<semaphore_mem>>) src(%arg15 : memref<80x128xf32, #tpu.memory_space<vmem>>) dst(%dma_wait3A_336 : memref<10240x128xf32, #tpu.memory_space<vmem_shared>>)
        tpu.yield
      }) : () -> ()
    }
    %scan3A_150 = arith.constant 62 : i32
    %dma_wait3A_151 = arith.constant 0 : i32
    %dma_wait3A_152 = arith.constant 0 : i32
    %dma_wait3A_153 = tpu.memref_slice %arg2[%dma_wait3A_151, %dma_wait3A_152] : memref<20000x128xf32, #tpu.memory_space<hbm>> -> memref<20000x128xf32, #tpu.memory_space<hbm>>
    tpu.wait_indirect_dma semaphore(%arg17 : memref<!tpu.dma_semaphore, #tpu.memory_space<semaphore_mem>>) src(%dma_wait3A_153 : memref<20000x128xf32, #tpu.memory_space<hbm>>) dst(%arg12 : memref<80x128xf32, #tpu.memory_space<vmem>>)
    "tpu.region"() ({
      %run_scoped3A = tpu.sem_alloc : memref<!tpu.dma_semaphore, #tpu.memory_space<semaphore_mem>>
      %dma_start3A_176 = arith.constant 0 : i32
      %dma_start3A_177 = arith.constant 0 : i32
      %dma_start3A_178 = tpu.memref_slice %arg9[%dma_start3A_176, %dma_start3A_177] : memref<10240x128xf32, #tpu.memory_space<vmem_shared>> -> memref<10240x128xf32, #tpu.memory_space<vmem_shared>>
      tpu.enqueue_indirect_dma source(%arg12 : memref<80x128xf32, #tpu.memory_space<vmem>>) target(%dma_start3A_178 : memref<10240x128xf32, #tpu.memory_space<vmem_shared>>) offsets(%arg10 : memref<80xi32, #tpu.memory_space<vmem>>) semaphore(%run_scoped3A : memref<!tpu.dma_semaphore, #tpu.memory_space<semaphore_mem>>) {add = true}
      %dma_wait3A_179 = arith.constant 0 : i32
      %dma_wait3A_180 = arith.constant 0 : i32
      %dma_wait3A_181 = tpu.memref_slice %arg9[%dma_wait3A_179, %dma_wait3A_180] : memref<10240x128xf32, #tpu.memory_space<vmem_shared>> -> memref<10240x128xf32, #tpu.memory_space<vmem_shared>>
      tpu.wait_indirect_dma semaphore(%run_scoped3A : memref<!tpu.dma_semaphore, #tpu.memory_space<semaphore_mem>>) src(%arg12 : memref<80x128xf32, #tpu.memory_space<vmem>>) dst(%dma_wait3A_181 : memref<10240x128xf32, #tpu.memory_space<vmem_shared>>)
      tpu.yield
    }) : () -> ()
    %barrier3A_154 = arith.constant 0 : index
    tpu.barrier barrier_id(%barrier3A_154)
    "tpu.region"() ({
      %run_scoped3A = tpu.sem_alloc : memref<!tpu.dma_semaphore, #tpu.memory_space<semaphore_mem>>
      %dma_start3A_176 = arith.constant 0 : i32
      %dma_start3A_177 = tpu.memref_slice %arg7[%arg0, %mul3A_0, %dma_start3A_176] : memref<2x10240x128xf32, #tpu.memory_space<hbm>> -> memref<1x640x128xf32, #tpu.memory_space<hbm>>
      %dma_start3A_178 = tpu.memref_squeeze %dma_start3A_177 : memref<1x640x128xf32, #tpu.memory_space<hbm>> -> memref<640x128xf32, #tpu.memory_space<hbm>>
      %dma_start3A_179 = arith.constant 0 : i32
      %dma_start3A_180 = tpu.memref_slice %arg9[%mul3A_0, %dma_start3A_179] : memref<10240x128xf32, #tpu.memory_space<vmem_shared>> -> memref<640x128xf32, #tpu.memory_space<vmem_shared>>
      tpu.enqueue_dma source(%dma_start3A_180 : memref<640x128xf32, #tpu.memory_space<vmem_shared>>) target(%dma_start3A_178 : memref<640x128xf32, #tpu.memory_space<hbm>>) target_semaphore(%run_scoped3A : memref<!tpu.dma_semaphore, #tpu.memory_space<semaphore_mem>>)
      %dma_wait3A_181 = arith.constant 0 : i32
      %dma_wait3A_182 = tpu.memref_slice %arg7[%arg0, %mul3A_0, %dma_wait3A_181] : memref<2x10240x128xf32, #tpu.memory_space<hbm>> -> memref<1x640x128xf32, #tpu.memory_space<hbm>>
      %dma_wait3A_183 = tpu.memref_squeeze %dma_wait3A_182 : memref<1x640x128xf32, #tpu.memory_space<hbm>> -> memref<640x128xf32, #tpu.memory_space<hbm>>
      %dma_wait3A_184 = arith.constant 0 : i32
      %dma_wait3A_185 = tpu.memref_slice %arg9[%mul3A_0, %dma_wait3A_184] : memref<10240x128xf32, #tpu.memory_space<vmem_shared>> -> memref<640x128xf32, #tpu.memory_space<vmem_shared>>
      tpu.wait_dma2 semaphore(%run_scoped3A : memref<!tpu.dma_semaphore, #tpu.memory_space<semaphore_mem>>) src(%dma_wait3A_185 : memref<640x128xf32, #tpu.memory_space<vmem_shared>>) dst(%dma_wait3A_183 : memref<640x128xf32, #tpu.memory_space<hbm>>)
      tpu.yield
    }) : () -> ()
    %barrier3A_155 = arith.constant 0 : index
    tpu.barrier barrier_id(%barrier3A_155)
    "tpu.region"() ({
      %run_scoped3A = tpu.sem_alloc : memref<!tpu.dma_semaphore, #tpu.memory_space<semaphore_mem>>
      %dma_start3A_176 = arith.constant 0 : i32
      %dma_start3A_177 = tpu.memref_slice %arg9[%mul3A_0, %dma_start3A_176] : memref<10240x128xf32, #tpu.memory_space<vmem_shared>> -> memref<640x128xf32, #tpu.memory_space<vmem_shared>>
      %dma_start3A_178 = arith.constant 0 : i32
      %dma_start3A_179 = tpu.memref_slice %arg4[%mul3A_0, %dma_start3A_178] : memref<10240x128xf32, #tpu.memory_space<hbm>> -> memref<640x128xf32, #tpu.memory_space<hbm>>
      tpu.enqueue_dma source(%dma_start3A_179 : memref<640x128xf32, #tpu.memory_space<hbm>>) target(%dma_start3A_177 : memref<640x128xf32, #tpu.memory_space<vmem_shared>>) target_semaphore(%run_scoped3A : memref<!tpu.dma_semaphore, #tpu.memory_space<semaphore_mem>>)
      %dma_wait3A_180 = arith.constant 0 : i32
      %dma_wait3A_181 = tpu.memref_slice %arg9[%mul3A_0, %dma_wait3A_180] : memref<10240x128xf32, #tpu.memory_space<vmem_shared>> -> memref<640x128xf32, #tpu.memory_space<vmem_shared>>
      %dma_wait3A_182 = arith.constant 0 : i32
      %dma_wait3A_183 = tpu.memref_slice %arg4[%mul3A_0, %dma_wait3A_182] : memref<10240x128xf32, #tpu.memory_space<hbm>> -> memref<640x128xf32, #tpu.memory_space<hbm>>
      tpu.wait_dma2 semaphore(%run_scoped3A : memref<!tpu.dma_semaphore, #tpu.memory_space<semaphore_mem>>) src(%dma_wait3A_183 : memref<640x128xf32, #tpu.memory_space<hbm>>) dst(%dma_wait3A_181 : memref<640x128xf32, #tpu.memory_space<vmem_shared>>)
      tpu.yield
    }) : () -> ()
    %barrier3A_156 = arith.constant 0 : index
    tpu.barrier barrier_id(%barrier3A_156)
    %mul3A_157 = arith.constant 2 : i32
    %mul3A_158 = arith.muli %arg0, %mul3A_157 : i32
    %mul3A_159 = arith.constant 160000 : i32
    %mul3A_160 = arith.muli %mul3A_158, %mul3A_159 : i32
    %add3A_161 = arith.constant 160000 : i32
    %add3A_162 = arith.addi %mul3A_160, %add3A_161 : i32
    %add3A_163 = arith.addi %add3A_162, %mul3A_2 : i32
    %dma_start3A_164 = tpu.memref_slice %arg3[%add3A_163] : memref<640000xi32, #tpu.memory_space<hbm>> -> memref<80xi32, #tpu.memory_space<hbm>>
    %dma_start3A_165 = tpu.memref_slice %arg3[%add3A_163] : memref<640000xi32, #tpu.memory_space<hbm>> -> memref<80xi32, #tpu.memory_space<hbm>>
    tpu.enqueue_dma source(%dma_start3A_165 : memref<80xi32, #tpu.memory_space<hbm>>) target(%arg10 : memref<80xi32, #tpu.memory_space<vmem>>) target_semaphore(%arg17 : memref<!tpu.dma_semaphore, #tpu.memory_space<semaphore_mem>>)
    %scan3A_166 = arith.constant 0 : i32
    %scan3A_167 = arith.constant 62 : i32
    %scan3A_168 = arith.addi %scan3A_166, %scan3A_167 : i32
    %scan3A_169 = arith.constant 1 : i32
    scf.for %scan3A_176 = %scan3A_166 to %scan3A_168 step %scan3A_169  : i32 {
      %mul3A_177 = arith.constant 2 : i32
      %mul3A_178 = arith.muli %mul3A_177, %scan3A_176 : i32
      %add3A_179 = arith.constant 1 : i32
      %add3A_180 = arith.addi %mul3A_178, %add3A_179 : i32
      %mul3A_181 = arith.constant 80 : i32
      %mul3A_182 = arith.muli %add3A_180, %mul3A_181 : i32
      %add3A_183 = arith.addi %add3A_163, %mul3A_182 : i32
      %dma_start3A_184 = tpu.memref_slice %arg3[%add3A_183] : memref<640000xi32, #tpu.memory_space<hbm>> -> memref<80xi32, #tpu.memory_space<hbm>>
      %dma_start3A_185 = tpu.memref_slice %arg3[%add3A_183] : memref<640000xi32, #tpu.memory_space<hbm>> -> memref<80xi32, #tpu.memory_space<hbm>>
      tpu.enqueue_dma source(%dma_start3A_185 : memref<80xi32, #tpu.memory_space<hbm>>) target(%arg13 : memref<80xi32, #tpu.memory_space<vmem>>) target_semaphore(%arg18 : memref<!tpu.dma_semaphore, #tpu.memory_space<semaphore_mem>>)
      %mul3A_186 = arith.constant 2 : i32
      %mul3A_187 = arith.muli %mul3A_186, %scan3A_176 : i32
      %mul3A_188 = arith.constant 80 : i32
      %mul3A_189 = arith.muli %mul3A_187, %mul3A_188 : i32
      %add3A_190 = arith.addi %add3A_163, %mul3A_189 : i32
      %dma_wait3A_191 = tpu.memref_slice %arg3[%add3A_190] : memref<640000xi32, #tpu.memory_space<hbm>> -> memref<80xi32, #tpu.memory_space<hbm>>
      %dma_wait3A_192 = tpu.memref_slice %arg3[%add3A_190] : memref<640000xi32, #tpu.memory_space<hbm>> -> memref<80xi32, #tpu.memory_space<hbm>>
      tpu.wait_dma2 semaphore(%arg17 : memref<!tpu.dma_semaphore, #tpu.memory_space<semaphore_mem>>) src(%dma_wait3A_192 : memref<80xi32, #tpu.memory_space<hbm>>) dst(%arg10 : memref<80xi32, #tpu.memory_space<vmem>>)
      "tpu.region"() ({
        %run_scoped3A = tpu.sem_alloc : memref<!tpu.dma_semaphore, #tpu.memory_space<semaphore_mem>>
        %dma_start3A_211 = arith.constant 0 : i32
        %dma_start3A_212 = arith.constant 0 : i32
        %dma_start3A_213 = tpu.memref_slice %arg9[%dma_start3A_211, %dma_start3A_212] : memref<10240x128xf32, #tpu.memory_space<vmem_shared>> -> memref<10240x128xf32, #tpu.memory_space<vmem_shared>>
        tpu.enqueue_indirect_dma source(%arg16 : memref<80x128xf32, #tpu.memory_space<vmem>>) target(%dma_start3A_213 : memref<10240x128xf32, #tpu.memory_space<vmem_shared>>) offsets(%arg10 : memref<80xi32, #tpu.memory_space<vmem>>) semaphore(%run_scoped3A : memref<!tpu.dma_semaphore, #tpu.memory_space<semaphore_mem>>) {add = true}
        %dma_wait3A_214 = arith.constant 0 : i32
        %dma_wait3A_215 = arith.constant 0 : i32
        %dma_wait3A_216 = tpu.memref_slice %arg9[%dma_wait3A_214, %dma_wait3A_215] : memref<10240x128xf32, #tpu.memory_space<vmem_shared>> -> memref<10240x128xf32, #tpu.memory_space<vmem_shared>>
        tpu.wait_indirect_dma semaphore(%run_scoped3A : memref<!tpu.dma_semaphore, #tpu.memory_space<semaphore_mem>>) src(%arg16 : memref<80x128xf32, #tpu.memory_space<vmem>>) dst(%dma_wait3A_216 : memref<10240x128xf32, #tpu.memory_space<vmem_shared>>)
        tpu.yield
      }) : () -> ()
      %mul3A_193 = arith.constant 2 : i32
      %mul3A_194 = arith.muli %mul3A_193, %scan3A_176 : i32
      %add3A_195 = arith.constant 2 : i32
      %add3A_196 = arith.addi %mul3A_194, %add3A_195 : i32
      %mul3A_197 = arith.constant 80 : i32
      %mul3A_198 = arith.muli %add3A_196, %mul3A_197 : i32
      %add3A_199 = arith.addi %add3A_163, %mul3A_198 : i32
      %dma_start3A_200 = tpu.memref_slice %arg3[%add3A_199] : memref<640000xi32, #tpu.memory_space<hbm>> -> memref<80xi32, #tpu.memory_space<hbm>>
      %dma_start3A_201 = tpu.memref_slice %arg3[%add3A_199] : memref<640000xi32, #tpu.memory_space<hbm>> -> memref<80xi32, #tpu.memory_space<hbm>>
      tpu.enqueue_dma source(%dma_start3A_201 : memref<80xi32, #tpu.memory_space<hbm>>) target(%arg10 : memref<80xi32, #tpu.memory_space<vmem>>) target_semaphore(%arg17 : memref<!tpu.dma_semaphore, #tpu.memory_space<semaphore_mem>>)
      %mul3A_202 = arith.constant 2 : i32
      %mul3A_203 = arith.muli %mul3A_202, %scan3A_176 : i32
      %add3A_204 = arith.constant 1 : i32
      %add3A_205 = arith.addi %mul3A_203, %add3A_204 : i32
      %mul3A_206 = arith.constant 80 : i32
      %mul3A_207 = arith.muli %add3A_205, %mul3A_206 : i32
      %add3A_208 = arith.addi %add3A_163, %mul3A_207 : i32
      %dma_wait3A_209 = tpu.memref_slice %arg3[%add3A_208] : memref<640000xi32, #tpu.memory_space<hbm>> -> memref<80xi32, #tpu.memory_space<hbm>>
      %dma_wait3A_210 = tpu.memref_slice %arg3[%add3A_208] : memref<640000xi32, #tpu.memory_space<hbm>> -> memref<80xi32, #tpu.memory_space<hbm>>
      tpu.wait_dma2 semaphore(%arg18 : memref<!tpu.dma_semaphore, #tpu.memory_space<semaphore_mem>>) src(%dma_wait3A_210 : memref<80xi32, #tpu.memory_space<hbm>>) dst(%arg13 : memref<80xi32, #tpu.memory_space<vmem>>)
      "tpu.region"() ({
        %run_scoped3A = tpu.sem_alloc : memref<!tpu.dma_semaphore, #tpu.memory_space<semaphore_mem>>
        %dma_start3A_211 = arith.constant 0 : i32
        %dma_start3A_212 = arith.constant 0 : i32
        %dma_start3A_213 = tpu.memref_slice %arg9[%dma_start3A_211, %dma_start3A_212] : memref<10240x128xf32, #tpu.memory_space<vmem_shared>> -> memref<10240x128xf32, #tpu.memory_space<vmem_shared>>
        tpu.enqueue_indirect_dma source(%arg16 : memref<80x128xf32, #tpu.memory_space<vmem>>) target(%dma_start3A_213 : memref<10240x128xf32, #tpu.memory_space<vmem_shared>>) offsets(%arg13 : memref<80xi32, #tpu.memory_space<vmem>>) semaphore(%run_scoped3A : memref<!tpu.dma_semaphore, #tpu.memory_space<semaphore_mem>>) {add = true}
        %dma_wait3A_214 = arith.constant 0 : i32
        %dma_wait3A_215 = arith.constant 0 : i32
        %dma_wait3A_216 = tpu.memref_slice %arg9[%dma_wait3A_214, %dma_wait3A_215] : memref<10240x128xf32, #tpu.memory_space<vmem_shared>> -> memref<10240x128xf32, #tpu.memory_space<vmem_shared>>
        tpu.wait_indirect_dma semaphore(%run_scoped3A : memref<!tpu.dma_semaphore, #tpu.memory_space<semaphore_mem>>) src(%arg16 : memref<80x128xf32, #tpu.memory_space<vmem>>) dst(%dma_wait3A_216 : memref<10240x128xf32, #tpu.memory_space<vmem_shared>>)
        tpu.yield
      }) : () -> ()
    }
    %scan3A_170 = arith.constant 62 : i32
    %add3A_171 = arith.constant 9920 : i32
    %add3A_172 = arith.addi %add3A_163, %add3A_171 : i32
    %dma_wait3A_173 = tpu.memref_slice %arg3[%add3A_172] : memref<640000xi32, #tpu.memory_space<hbm>> -> memref<80xi32, #tpu.memory_space<hbm>>
    %dma_wait3A_174 = tpu.memref_slice %arg3[%add3A_172] : memref<640000xi32, #tpu.memory_space<hbm>> -> memref<80xi32, #tpu.memory_space<hbm>>
    tpu.wait_dma2 semaphore(%arg17 : memref<!tpu.dma_semaphore, #tpu.memory_space<semaphore_mem>>) src(%dma_wait3A_174 : memref<80xi32, #tpu.memory_space<hbm>>) dst(%arg10 : memref<80xi32, #tpu.memory_space<vmem>>)
    "tpu.region"() ({
      %run_scoped3A = tpu.sem_alloc : memref<!tpu.dma_semaphore, #tpu.memory_space<semaphore_mem>>
      %dma_start3A_176 = arith.constant 0 : i32
      %dma_start3A_177 = arith.constant 0 : i32
      %dma_start3A_178 = tpu.memref_slice %arg9[%dma_start3A_176, %dma_start3A_177] : memref<10240x128xf32, #tpu.memory_space<vmem_shared>> -> memref<10240x128xf32, #tpu.memory_space<vmem_shared>>
      tpu.enqueue_indirect_dma source(%arg16 : memref<80x128xf32, #tpu.memory_space<vmem>>) target(%dma_start3A_178 : memref<10240x128xf32, #tpu.memory_space<vmem_shared>>) offsets(%arg10 : memref<80xi32, #tpu.memory_space<vmem>>) semaphore(%run_scoped3A : memref<!tpu.dma_semaphore, #tpu.memory_space<semaphore_mem>>) {add = true}
      %dma_wait3A_179 = arith.constant 0 : i32
      %dma_wait3A_180 = arith.constant 0 : i32
      %dma_wait3A_181 = tpu.memref_slice %arg9[%dma_wait3A_179, %dma_wait3A_180] : memref<10240x128xf32, #tpu.memory_space<vmem_shared>> -> memref<10240x128xf32, #tpu.memory_space<vmem_shared>>
      tpu.wait_indirect_dma semaphore(%run_scoped3A : memref<!tpu.dma_semaphore, #tpu.memory_space<semaphore_mem>>) src(%arg16 : memref<80x128xf32, #tpu.memory_space<vmem>>) dst(%dma_wait3A_181 : memref<10240x128xf32, #tpu.memory_space<vmem_shared>>)
      tpu.yield
    }) : () -> ()
    %barrier3A_175 = arith.constant 0 : index
    tpu.barrier barrier_id(%barrier3A_175)
    "tpu.region"() ({
      %run_scoped3A = tpu.sem_alloc : memref<!tpu.dma_semaphore, #tpu.memory_space<semaphore_mem>>
      %dma_start3A_176 = arith.constant 0 : i32
      %dma_start3A_177 = tpu.memref_slice %arg8[%arg0, %mul3A_0, %dma_start3A_176] : memref<2x10240x128xf32, #tpu.memory_space<hbm>> -> memref<1x640x128xf32, #tpu.memory_space<hbm>>
      %dma_start3A_178 = tpu.memref_squeeze %dma_start3A_177 : memref<1x640x128xf32, #tpu.memory_space<hbm>> -> memref<640x128xf32, #tpu.memory_space<hbm>>
      %dma_start3A_179 = arith.constant 0 : i32
      %dma_start3A_180 = tpu.memref_slice %arg9[%mul3A_0, %dma_start3A_179] : memref<10240x128xf32, #tpu.memory_space<vmem_shared>> -> memref<640x128xf32, #tpu.memory_space<vmem_shared>>
      tpu.enqueue_dma source(%dma_start3A_180 : memref<640x128xf32, #tpu.memory_space<vmem_shared>>) target(%dma_start3A_178 : memref<640x128xf32, #tpu.memory_space<hbm>>) target_semaphore(%run_scoped3A : memref<!tpu.dma_semaphore, #tpu.memory_space<semaphore_mem>>)
      %dma_wait3A_181 = arith.constant 0 : i32
      %dma_wait3A_182 = tpu.memref_slice %arg8[%arg0, %mul3A_0, %dma_wait3A_181] : memref<2x10240x128xf32, #tpu.memory_space<hbm>> -> memref<1x640x128xf32, #tpu.memory_space<hbm>>
      %dma_wait3A_183 = tpu.memref_squeeze %dma_wait3A_182 : memref<1x640x128xf32, #tpu.memory_space<hbm>> -> memref<640x128xf32, #tpu.memory_space<hbm>>
      %dma_wait3A_184 = arith.constant 0 : i32
      %dma_wait3A_185 = tpu.memref_slice %arg9[%mul3A_0, %dma_wait3A_184] : memref<10240x128xf32, #tpu.memory_space<vmem_shared>> -> memref<640x128xf32, #tpu.memory_space<vmem_shared>>
      tpu.wait_dma2 semaphore(%run_scoped3A : memref<!tpu.dma_semaphore, #tpu.memory_space<semaphore_mem>>) src(%dma_wait3A_185 : memref<640x128xf32, #tpu.memory_space<vmem_shared>>) dst(%dma_wait3A_183 : memref<640x128xf32, #tpu.memory_space<hbm>>)
      tpu.yield
    }) : () -> ()
    return
  }
}

module attributes {stable_mosaic.version = 14 : i64} {
  func.func @_tc_body(%arg0: i32, %arg1: memref<1000x256xf32, #tpu.memory_space<vmem>>, %arg2: memref<1000x256xf32, #tpu.memory_space<vmem>>, %arg3: memref<1000x1xf32, #tpu.memory_space<vmem>>, %arg4: memref<1000x1xf32, #tpu.memory_space<vmem>>, %arg5: memref<256x256xf32, #tpu.memory_space<vmem>>, %arg6: memref<256x256xf32, #tpu.memory_space<vmem>>, %arg7: memref<1x256xf32, #tpu.memory_space<vmem>>, %arg8: memref<1x256xf32, #tpu.memory_space<vmem>>, %arg9: memref<1000x256xf32, #tpu.memory_space<vmem>>) attributes {dimension_semantics = [#tpu.dimension_semantics<arbitrary>], iteration_bounds = array<i64: 10>, scalar_prefetch = 0 : i64, scratch_operands = 0 : i64, tpu.core_type = #tpu.core_type<tc>, window_params = [{transform_indices = @transform_0, window_bounds = array<i64: 1000, 256>}, {transform_indices = @transform_1, window_bounds = array<i64: 1000, 256>}, {transform_indices = @transform_2, window_bounds = array<i64: 1000, 1>}, {transform_indices = @transform_3, window_bounds = array<i64: 1000, 1>}, {pipeline_mode = #tpu.pipeline_mode<synchronous>, transform_indices = @transform_4, window_bounds = array<i64: 256, 256>}, {pipeline_mode = #tpu.pipeline_mode<synchronous>, transform_indices = @transform_5, window_bounds = array<i64: 256, 256>}, {pipeline_mode = #tpu.pipeline_mode<synchronous>, transform_indices = @transform_6, window_bounds = array<i64: 1, 256>}, {pipeline_mode = #tpu.pipeline_mode<synchronous>, transform_indices = @transform_7, window_bounds = array<i64: 1, 256>}, {transform_indices = @transform_8, window_bounds = array<i64: 1000, 256>}]} {
    %get3A = arith.constant 0 : index
    %get3A_0 = arith.constant 0 : index
    %get3A_1 = vector.load %arg3[%get3A, %get3A_0] : memref<1000x1xf32, #tpu.memory_space<vmem>>, vector<1000x1xf32>
    %max3A = arith.constant 1.000000e+00 : f32
    %max3A_2 = vector.broadcast %max3A : f32 to vector<1000x1xf32>
    %max3A_3 = arith.maximumf %get3A_1, %max3A_2 : vector<1000x1xf32>
    %div3A = arith.constant 1.000000e+00 : f32
    %div3A_4 = vector.broadcast %div3A : f32 to vector<1000x1xf32>
    %div3A_5 = arith.divf %div3A_4, %max3A_3 : vector<1000x1xf32>
    %get3A_6 = arith.constant 0 : index
    %get3A_7 = arith.constant 0 : index
    %get3A_8 = vector.load %arg4[%get3A_6, %get3A_7] : memref<1000x1xf32, #tpu.memory_space<vmem>>, vector<1000x1xf32>
    %max3A_9 = arith.constant 1.000000e+00 : f32
    %max3A_10 = vector.broadcast %max3A_9 : f32 to vector<1000x1xf32>
    %max3A_11 = arith.maximumf %get3A_8, %max3A_10 : vector<1000x1xf32>
    %div3A_12 = arith.constant 1.000000e+00 : f32
    %div3A_13 = vector.broadcast %div3A_12 : f32 to vector<1000x1xf32>
    %div3A_14 = arith.divf %div3A_13, %max3A_11 : vector<1000x1xf32>
    %get3A_15 = arith.constant 0 : index
    %get3A_16 = arith.constant 0 : index
    %get3A_17 = vector.load %arg1[%get3A_15, %get3A_16] : memref<1000x256xf32, #tpu.memory_space<vmem>>, vector<1000x256xf32>
    %mul3A = vector.broadcast %div3A_5 : vector<1000x1xf32> to vector<1000x256xf32>
    %mul3A_18 = arith.mulf %get3A_17, %mul3A : vector<1000x256xf32>
    %get3A_19 = arith.constant 0 : index
    %get3A_20 = arith.constant 0 : index
    %get3A_21 = vector.load %arg5[%get3A_19, %get3A_20] : memref<256x256xf32, #tpu.memory_space<vmem>>, vector<256x256xf32>
    %dot_general3A = arith.constant dense<0.000000e+00> : vector<1000x256xf32>
    %dot_general3A_22 = tpu.matmul %mul3A_18, %get3A_21, %dot_general3A {dimension_numbers = #tpu.dot_dimension_numbers<[1], [0], [0], [1], [0, 0, 1, 1], [], []>, transpose_lhs_hint = false} : vector<1000x256xf32>, vector<256x256xf32>, vector<1000x256xf32> -> vector<1000x256xf32>
    %get3A_23 = arith.constant 0 : index
    %get3A_24 = arith.constant 0 : index
    %get3A_25 = vector.load %arg2[%get3A_23, %get3A_24] : memref<1000x256xf32, #tpu.memory_space<vmem>>, vector<1000x256xf32>
    %mul3A_26 = vector.broadcast %div3A_14 : vector<1000x1xf32> to vector<1000x256xf32>
    %mul3A_27 = arith.mulf %get3A_25, %mul3A_26 : vector<1000x256xf32>
    %get3A_28 = arith.constant 0 : index
    %get3A_29 = arith.constant 0 : index
    %get3A_30 = vector.load %arg6[%get3A_28, %get3A_29] : memref<256x256xf32, #tpu.memory_space<vmem>>, vector<256x256xf32>
    %dot_general3A_31 = arith.constant dense<0.000000e+00> : vector<1000x256xf32>
    %dot_general3A_32 = tpu.matmul %mul3A_27, %get3A_30, %dot_general3A_31 {dimension_numbers = #tpu.dot_dimension_numbers<[1], [0], [0], [1], [0, 0, 1, 1], [], []>, transpose_lhs_hint = false} : vector<1000x256xf32>, vector<256x256xf32>, vector<1000x256xf32> -> vector<1000x256xf32>
    %add3A = arith.addf %dot_general3A_22, %dot_general3A_32 : vector<1000x256xf32>
    %get3A_33 = arith.constant 0 : index
    %get3A_34 = arith.constant 0 : index
    %get3A_35 = vector.load %arg7[%get3A_33, %get3A_34] : memref<1x256xf32, #tpu.memory_space<vmem>>, vector<1x256xf32>
    %add3A_36 = vector.broadcast %get3A_35 : vector<1x256xf32> to vector<1000x256xf32>
    %add3A_37 = arith.addf %add3A, %add3A_36 : vector<1000x256xf32>
    %get3A_38 = arith.constant 0 : index
    %get3A_39 = arith.constant 0 : index
    %get3A_40 = vector.load %arg8[%get3A_38, %get3A_39] : memref<1x256xf32, #tpu.memory_space<vmem>>, vector<1x256xf32>
    %add3A_41 = vector.broadcast %get3A_40 : vector<1x256xf32> to vector<1000x256xf32>
    %add3A_42 = arith.addf %add3A_37, %add3A_41 : vector<1000x256xf32>
    %swap3A = arith.constant 0 : index
    %swap3A_43 = arith.constant 0 : index
    %swap3A_44 = vector.load %arg9[%swap3A, %swap3A_43] : memref<1000x256xf32, #tpu.memory_space<vmem>>, vector<1000x256xf32>
    tpu.vector_store %arg9[%swap3A, %swap3A_43], %add3A_42 {strides = array<i32>} : memref<1000x256xf32, #tpu.memory_space<vmem>>, vector<1000x256xf32>,
    return
  }
  func.func @transform_0(%arg0: i32) -> (i32, i32) {
    %c0_i32 = arith.constant 0 : i32
    %c0_i32_0 = arith.constant 0 : i32
    return %arg0, %c0_i32 : i32, i32
  }
  func.func @transform_1(%arg0: i32) -> (i32, i32) {
    %c0_i32 = arith.constant 0 : i32
    %c0_i32_0 = arith.constant 0 : i32
    return %arg0, %c0_i32 : i32, i32
  }
  func.func @transform_2(%arg0: i32) -> (i32, i32) {
    %c0_i32 = arith.constant 0 : i32
    %c0_i32_0 = arith.constant 0 : i32
    return %arg0, %c0_i32 : i32, i32
  }
  func.func @transform_3(%arg0: i32) -> (i32, i32) {
    %c0_i32 = arith.constant 0 : i32
    %c0_i32_0 = arith.constant 0 : i32
    return %arg0, %c0_i32 : i32, i32
  }
  func.func @transform_4(%arg0: i32) -> (i32, i32) {
    %c0_i32 = arith.constant 0 : i32
    %c0_i32_0 = arith.constant 0 : i32
    %c0_i32_1 = arith.constant 0 : i32
    return %c0_i32, %c0_i32_0 : i32, i32
  }
  func.func @transform_5(%arg0: i32) -> (i32, i32) {
    %c0_i32 = arith.constant 0 : i32
    %c0_i32_0 = arith.constant 0 : i32
    %c0_i32_1 = arith.constant 0 : i32
    return %c0_i32, %c0_i32_0 : i32, i32
  }
  func.func @transform_6(%arg0: i32) -> (i32, i32) {
    %c0_i32 = arith.constant 0 : i32
    %c0_i32_0 = arith.constant 0 : i32
    %c0_i32_1 = arith.constant 0 : i32
    return %c0_i32, %c0_i32_0 : i32, i32
  }
  func.func @transform_7(%arg0: i32) -> (i32, i32) {
    %c0_i32 = arith.constant 0 : i32
    %c0_i32_0 = arith.constant 0 : i32
    %c0_i32_1 = arith.constant 0 : i32
    return %c0_i32, %c0_i32_0 : i32, i32
  }
  func.func @transform_8(%arg0: i32) -> (i32, i32) {
    %c0_i32 = arith.constant 0 : i32
    %c0_i32_0 = arith.constant 0 : i32
    return %arg0, %c0_i32 : i32, i32
  }
}

</mosaic_0001>

<sc_bundles>
// kernel: kernel.4.cloned.1.call-start
scs
__scs_entry_jumppad:
0x0: {  	(pc) =	sbr.rel $0x88, $3  }
0x1: {  	(tag) =	ssettag $0x0;
	lr =	simm.s32 $0x1  }
0x2: {  	[smem:$0x3F9A] =	sst lr;
	_ =	strace $0xD0000000  }
0x3: {  	_ = 	snop  }
0x4: {  	_ = 	snop  }
0x5: {  	_ = 	snop  }
0x6: {  	_ = 	snop  }
0x7: {  	_ = 	snop  }
__scs_overlays_trampoline_lowered:
0x8: {  	[smem:$0x3FA9] =	sst s0  }
0x9: {  	[smem:$0x3FAA] =	sst s1  }
0xa: {  	[smem:$0x3FAB] =	sst s2  }
0xb: {  	[smem:$0x3FAC] =	sst s3  }
0xc: {  	[smem:$0x3FAD] =	sst s4  }
0xd: {  	[smem:$0x3FAE] =	sst s5  }
0xe: {  	[smem:$0x3FAF] =	sst s6  }
0xf: {  	[smem:$0x3FB0] =	sst s7  }
0x10: {  	[smem:$0x3FB1] =	sst s8  }
0x11: {  	[smem:$0x3FB2] =	sst s9;
	s0 =	simm.s32 @!p0 $0x0  }
0x12: {  	s1 =	sld [smem:$0x3F98];
	s0 =	simm.s32 @p0 $0x1  }
0x13: {  	[smem:$0x3FB3] =	sst s0;
	s0 =	simm.s32 @!p1 $0x0  }
0x14: {  	s2 =	sld [smem:$0x3F97];
	s0 =	simm.s32 @p1 $0x1  }
0x15: {  	[smem:$0x3FB4] =	sst s0;
	s0 =	simm.s32 @!p2 $0x0  }
0x16: {  	s3 =	sld [smem:$0x3FDB];
	s0 =	simm.s32 @p2 $0x1  }
0x17: {  	s4 =	simm.s32 $0x1BF5;
	[smem:$0x3FB6] =	sst s0  }
0x18: {  	s0 =	sld [smem:$0x3F99];
	_ =	swait.ge [sflag:s4], $0x0  }
0x19: {  	s7 =	sld [smem:$0x3F9A]  }
0x1a: {  	s8 =	sadd.s32 $0xFFFFE003, lr  }
0x1b: {  	s9 =	sadd.s32 $0xFFFFFEF7, lr;
	s5 =	simm.s32 $0xFFFFFFFF;
	p2 =	slt.u32 s8, $0xFFFFF086  }
0x1c: {  	p1 =	slt.u32 s9, $0xF7A;
	s5 =	simm.s32 @!p2 $0x0  }
0x1d: {  	s5 =	simm.s32 @p1 $0x1;
	p0 =	seq.s32 s7, s2  }
0x1e: {  	s7 =	smul.u32 @!p0 $0xF7A, s2;
	p2 =	seq.s32 @!p0 s5, $0x0  }
0x1f: {  	s9 =	smul.u32 $0xF7A, s1;
	s8 =	simm.s32 @!p0 $0x1BF5;
	p2 =	por !p2, p0  }
0x20: {  	[sflag:s8] =	ssyncset.s32 @!p0 $0xFFFFF086;
	s6 =	sadd.s32 @!p0 s3, s7;
	s7 =	simm.s32 @!p0 $0x108  }
0x21: {  	s3 =	sadd.s32 s3, s9;
	s6 =	sadd.s32 @!p0 $0x88, s6;
	s7 =	simm.s32 @p2 $0x1082  }
0x22: {  	[simem:s7], [sflag:s8] =	dma.local @!p0 [hbm:s6], $0xF7A  }
0x23: {  	s9 =	sor.u32 $0xD0000000, s2;
	s6 =	simm.s32 $0x108;
	_ =	swait.ge @!p0 [sflag:s8], $0x0  }
0x24: {  	s3 =	sadd.s32 $0x88, s3;
	s6 =	simm.s32 @!p1 $0x1082;
	[sflag:s4] =	ssyncset.s32 $0xFFFFF086  }
0x25: {  	[simem:s6], [sflag:s4] =	dma.local [hbm:s3], $0xF7A  }
0x26: {  	[smem:$0x3F9A] =	sst s1;
	(tag) =	ssettag s2;
	_ =	strace s9  }
0x27: {  	s1 =	sld [smem:$0x3FAA]  }
0x28: {  	s2 =	sld [smem:$0x3FAB]  }
0x29: {  	s4 =	sld [smem:$0x3FAD]  }
0x2a: {  	p0 =	seq.s32 s5, $0x0;
	s5 =	sld [smem:$0x3FAE]  }
0x2b: {  	s6 =	sld [smem:$0x3FAF]  }
0x2c: {  	s7 =	sld [smem:$0x3FB0]  }
0x2d: {  	s3 =	simm.s32 $0x108;
	s8 =	sld [smem:$0x3FB1]  }
0x2e: {  	s3 =	simm.s32 @!p0 $0x1082;
	s9 =	sld [smem:$0x3FB2]  }
0x2f: {  	lr =	sadd.s32 s0, s3;
	s0 =	sld [smem:$0x3FA9]  }
0x30: {  	s3 =	sld [smem:$0x3FAC]  }
0x31: {  	[smem:$0x3FB5] =	sst s10  }
0x32: {  	s10 =	sld [smem:$0x3FB3];
	_ =	sdelay $0x3  }
0x33: {  	p0 =	seq.s32 s10, $0x1;
	s10 =	sld [smem:$0x3FB5];
	_ =	sdelay $0x3  }
0x34: {  	[smem:$0x3FB5] =	sst s10  }
0x35: {  	s10 =	sld [smem:$0x3FB4];
	_ =	sdelay $0x3  }
0x36: {  	p1 =	seq.s32 s10, $0x1;
	s10 =	sld [smem:$0x3FB5];
	_ =	sdelay $0x3  }
0x37: {  	[smem:$0x3FB5] =	sst s10  }
0x38: {  	s10 =	sld [smem:$0x3FB6]  }
0x39: {  	_ = 	snop;
	(pc) =	sbr.ind lr, $3  }
0x3a: {  	_ = 	snop  }
0x3b: {  	_ = 	snop  }
0x3c: {  	p2 =	seq.s32 s10, $0x1;
	s10 =	sld [smem:$0x3FB5]  }
0x3d: {  	_ =	shalt  }
0x3e: {  	_ =	shalt  }
0x3f: {  	_ =	shalt  }
0x40: {  	_ =	shalt  }
0x41: {  	_ =	shalt  }
0x42: {  	_ =	shalt  }
0x43: {  	_ =	shalt  }
0x44: {  	_ =	shalt  }
0x45: {  	_ =	shalt  }
0x46: {  	_ =	shalt  }
0x47: {  	_ =	shalt  }
0x48: {  	_ =	shalt  }
0x49: {  	_ =	shalt  }
0x4a: {  	_ =	shalt  }
0x4b: {  	_ =	shalt  }
0x4c: {  	_ =	shalt  }
0x4d: {  	_ =	shalt  }
0x4e: {  	_ =	shalt  }
0x4f: {  	_ =	shalt  }
0x50: {  	_ =	shalt  }
0x51: {  	_ =	shalt  }
0x52: {  	_ =	shalt  }
0x53: {  	_ =	shalt  }
0x54: {  	_ =	shalt  }
0x55: {  	_ =	shalt  }
0x56: {  	_ =	shalt  }
0x57: {  	_ =	shalt  }
0x58: {  	_ =	shalt  }
0x59: {  	_ =	shalt  }
0x5a: {  	_ =	shalt  }
0x5b: {  	_ =	shalt  }
0x5c: {  	_ =	shalt  }
0x5d: {  	_ =	shalt  }
0x5e: {  	_ =	shalt  }
0x5f: {  	_ =	shalt  }
0x60: {  	_ =	shalt  }
0x61: {  	_ =	shalt  }
0x62: {  	_ =	shalt  }
0x63: {  	_ =	shalt  }
0x64: {  	_ =	shalt  }
0x65: {  	_ =	shalt  }
0x66: {  	_ =	shalt  }
0x67: {  	_ =	shalt  }
0x68: {  	_ =	shalt  }
0x69: {  	_ =	shalt  }
0x6a: {  	_ =	shalt  }
0x6b: {  	_ =	shalt  }
0x6c: {  	_ =	shalt  }
0x6d: {  	_ =	shalt  }
0x6e: {  	_ =	shalt  }
0x6f: {  	_ =	shalt  }
0x70: {  	_ =	shalt  }
0x71: {  	_ =	shalt  }
0x72: {  	_ =	shalt  }
0x73: {  	_ =	shalt  }
0x74: {  	_ =	shalt  }
0x75: {  	_ =	shalt  }
0x76: {  	_ =	shalt  }
0x77: {  	_ =	shalt  }
0x78: {  	_ =	shalt  }
0x79: {  	_ =	shalt  }
0x7a: {  	_ =	shalt  }
0x7b: {  	_ =	shalt  }
0x7c: {  	_ =	shalt  }
0x7d: {  	_ =	shalt  }
0x7e: {  	_ =	shalt  }
0x7f: {  	_ =	shalt  }
0x80: {  	_ =	shalt  }
0x81: {  	_ =	shalt  }
0x82: {  	_ =	shalt  }
0x83: {  	_ =	shalt  }
0x84: {  	_ =	shalt  }
0x85: {  	_ =	shalt  }
0x86: {  	_ =	shalt  }
0x87: {  	_ =	shalt  }
.Lfunc_end0:
.L_simem_size_0:
called_computation_lowered:
.L_overlay_start_0:
0x88: {  	s2 =	sld [smem:$0x3FD9]  }
0x89: {  	s3 =	sld [smem:$0x3FFE];
	_ =	sdelay $0x1  }
0x8a: {  	s1 =	srdreg.scid  }
0x8b: {  	s0 =	sand.u32 $0x1, s1  }
0x8c: {  	s17 =	sshll.u32 s0, $0xA;
	s2 =	sadd.s32 s3, s2  }
0x8d: {  	s2 =	sadd.s32 s2, s17  }
0x8e: {  	[smem:$0x3FC1] =	sst s2  }
0x8f: {  	_ = 	snop  }
0x90: {  	s2 =	sld [smem:$0x3FD0];
	(tm) =	ssettm $0x1  }
0x91: {  	s18 =	sld [smem:$0x3FFB];
	_ =	sdelay $0x3  }
0x92: {  	_ =	strace s18  }
0x93: {  	s3 =	sld [smem:$0x3FFC];
	_ =	sdelay $0x3  }
0x94: {  	_ =	strace s3  }
0x95: {  	s3 =	sld [smem:$0x3FFD];
	_ =	sdelay $0x3  }
0x96: {  	_ =	strace s3  }
0x97: {  	_ =	strace $0x8FFFFFFF  }
0x98: {  	s19 =	sld [smem:$0x3FDB];
	_ =	sdelay $0x1  }
0x99: {  	s4 =	simm.s32 $_scs_section_size  }
0x9a: {  	s5 =	simm.s32 $_size__tile_overlayer_lowered;
	s6 =	simm.s32 $_tile_overlayer_lowered  }
0x9b: {  	s22 =	simm.s32 $0x1BFF;
	s21 =	sshll.u32 s6, $0x1;
	s3 =	sadd.s32 s4, s19  }
0x9c: {  	s7 =	simm.s32 $0x0;
	s20 =	sshll.u32 s5, $0x1;
	s5 =	sadd.s32 s21, s3  }
0x9d: {  	[timem:s7], [sflag:s22] =	dma.local [hbm:s5], s20  }
0x9e: {  	_ =	swait.ge [sflag:s22], s20  }
0x9f: {  	s4 =	ssub.s32 $0x0, s20;
	[sflag:s22] =	ssyncset.done $0x0  }
0xa0: {  	[sflag:s22] =	ssyncadd.s32 s4;
	_ =	sdelay $0x1  }
0xa1: {  	s23 =	simm.s32 $0x1B8B  }
0xa2: {  	_ =	swait.ge [sflag:s23], $0x1  }
0xa3: {  	[sflag:s23] =	ssyncset.done $0x0  }
0xa4: {  	s25 =	simm.s32 $0x1B8E;
	s24 =	sld [smem:$0x3FFE];
	[sflag:s23] =	ssyncadd.s32 $0xFFFFFFFF  }
0xa5: {  	s26 =	simm.s32 $execute0_lowered;
	[smem:$0x3FD2] =	sst s25  }
0xa6: {  	s5 =	sshll.u32 s26, $0x1;
	_ =	strace $0x80000046;
	[dreg:$0x1] =	wrdreg $0xFFFFFFFF  }
0xa7: {  	s28 =	simm.s32 $_size_execute0_lowered;
	s3 =	sadd.s32 s3, s5;
	[dreg:$0x0] =	wrdreg $0x0  }
0xa8: {  	s5 =	sshll.u32 s28, $0x1;
	[dreg:$0x2] =	wrdreg s3  }
0xa9: {  	[dreg:$0x3] =	wrdreg s5  }
0xaa: {  	[dreg:$0x4] =	wrdreg $0xC0  }
0xab: {  	_ =	task [dreg:s7], $0x5FFFF  }
0xac: {  	[dreg:$0x1] =	wrdreg $0xFFFFFFFF  }
0xad: {  	[dreg:$0x0] =	wrdreg $0x60  }
0xae: {  	[dreg:$0x2] =	wrdreg s2  }
0xaf: {  	[dreg:$0x3] =	wrdreg s24  }
0xb0: {  	[dreg:$0x4] =	wrdreg $0x0  }
0xb1: {  	[dreg:$0x5] =	wrdreg $0x9  }
0xb2: {  	_ =	task.clear_ibuf [dreg:s7], $0x6FFFF;
	_ =	strace $0x90000046  }
0xb3: {  	s29 =	simm.s32 $0x9;
	_ =	strace $0x80000048  }
0xb4: {  	_ =	swait.ge [sflag:s29], $0x1  }
0xb5: {  	[sflag:s29] =	ssyncadd.s32 $0xFFFFFFFF  }
0xb6: {  	_ =	strace $0x90000048  }
0xb7: {  	_ =	sfence  }
0xb8: {  	s30 =	sld [smem:$0x0];
	_ =	sdelay $0x2  }
0xb9: {  	s31 =	sshll.u32 s1, $0xD;
	s1 =	sshrl.u32 s1, $0x2  }
0xba: {  	s3 =	sand.u32 $0x4000, s31;
	s1 =	sadd.s32 s1, s30  }
0xbb: {  	s0 =	sor.u32 s3, s0;
	s1 =	sshll.u32 s1, $0x11  }
0xbc: {  	s0 =	sor.u32 s1, s0  }
0xbd: {  	s0 =	sadd.s32 $0x8F2B, s0  }
0xbe: {  	[sflag:s0] =	ssyncadd.remote.s32 $0x1  }
0xbf: {  	_ =	sfence.sel $0xFFFF  }
0xc0: {  	[dreg:$0x0] =	wrdreg $0xFFFFFFFF;
	(pc) =	sbr.abs _section_cstart, $3  }
0xc1: {  	[dreg:$0x1] =	wrdreg $0xFFFFFFFF  }
0xc2: {  	_ =	task.clear_ibuf [dreg:s7], $0x2FFFF;
	_ =	strace $0x9FFFFFFF  }
0xc3: {  	(tm) =	ssettm $0x7FFFFFFF  }
tec
execute0_lowered:
.L_overlay_start_1:
0x0: {  	(tag) =	ssettag $0x1  }
0x1: {  	s2 =	rddreg [dreg:$0x0]  }
0x2: {  	s0 =	rddreg [dreg:$0x1]  }
0x3: {  	s3 =	rddreg [dreg:$0x2]  }
0x4: {  	s12 =	stileid.u32;
	s5 =	srdreg.scid  }
0x5: {  	s4 =	simm.s32 $0x0;
	s28 =	simm.s32 $0x16900;
	s1 =	smul.u32 $0x14000, s12  }
0x6: {  	s29 =	simm.s32 $0x16980;
	s30 =	simm.s32 $0x16A00;
	s24 =	smul.u32 $0x2710, s12  }
0x7: {  	s31 =	simm.s32 $0x1;
	s5 =	sand.u32 $0x1, s5;
	s10 =	smul.u32 $0x50000, s12  }
0x8: {  	[smem:$0x7FF] =	sst s4;
	s9 =	sadd.s32 $0x1400, s0;
	s21 =	smul.u32 $0x4E2, s12  }
0x9: {  	s8 =	sadd.s32 $0x14E00, s0;
	s7 =	smul.u32 $0x140000, s5;
	_ =	strace $0x80000047  }
0xa: {  	[dreg:$0x4] =	wrdreg s8;
	s25 =	ssub.s32 $0x2, s5;
	s11 =	smul.u32 $0x4E200, s5  }
0xb: {  	s6 =	sshrl.u32 s1, $0x3;
	s26 =	sshrl.u32 s25, $0x1;
	s13 =	sshrl.u32 s10, $0x2  }
0xc: {  	s14 =	sshrl.u32 s24, $0x3;
	s6 =	sadd.s32 s6, s0;
	s1 =	sadd.s32 s1, s7  }
0xd: {  	s7 =	sadd.s32 s13, s3;
	s17 =	sadd.s32 s24, s11;
	s1 =	sshrl.u32 s1, $0x3  }
0xe: {  	[dreg:$0x5] =	wrdreg s7;
	s7 =	sadd.s32 s9, s14;
	s8 =	sadd.s32 $0x15400, s6  }
0xf: {  	s16 =	sshrl.u32 s17, $0x3;
	s22 =	sadd.s32 $0x271A0, s17;
	s24 =	sadd.s32 $0x27150, s17  }
0x10: {  	s17 =	sadd.s32 s21, s9;
	s21 =	simm.s32 $0x3;
	s0 =	sadd.s32 s1, s0  }
0x11: {  	s1 =	ssub.s32 s25, s26;
	s15 =	sadd.s32 $0x4E20, s7;
	s19 =	sadd.s32 $0xEA60, s7  }
0x12: {  	s6 =	sadd.s32 s9, s16;
	s20 =	sadd.s32 $0x9C40, s7;
	s23 =	sshrl.u32 s22, $0x3  }
0x13: {  	s25 =	sshrl.u32 s24, $0x3;
	s26 =	sshll.u32 s12, $0x6;
	[dreg:$0x6] =	wrdreg s15  }
0x14: {  	s24 =	simm.s32 $0x14080;
	s18 =	sadd.s32 $0x8D400, s0;
	[dreg:$0x8] =	wrdreg s19  }
0x15: {  	[dreg:$0x9] =	wrdreg s20;
	s13 =	sadd.s32 $0xDD400, s0;
	s14 =	sadd.s32 $0x4E20, s6  }
0x16: {  	s15 =	sadd.s32 $0x3D400, s0;
	s16 =	smax.u32 s1, $0x1;
	s19 =	sadd.s32 s25, s9  }
0x17: {  	s20 =	simm.s32 $0x19200;
	s22 =	sor.u32 $0x1C03, s26;
	s25 =	simm.s32 $0x50  }
0x18: {  	s26 =	simm.s32 $0x14100;
	s1 =	simm.s32 $0x2;
	s0 =	simm.s32 $0x0  }
0x19: {  	v0 =	vmov s5;
	[dreg:$0x7] =	wrdreg s18;
	s18 =	sadd.s32 s23, s9;
	s23 =	simm.s32 $0x14000  }
.LBB2_1:
0x1a: {  	s5 =	rddreg [dreg:$0x4]  }
0x1b: {  	[tilespmem:s20], [sflag:$0x3] =	stream.linear.gather [hbm4b:s5+s4], $0x2800, $0x38;
	[tilespmem:$0x1BA00] =	vst v63  }
0x1c: {  	_ =	swait.ge [sflag:s21], $0x2800  }
0x1d: {  	[sflag:s21] =	ssyncset.done $0x0;
	s9 =	rddreg [dreg:$0x5]  }
0x1e: {  	[sflag:s21] =	ssyncadd.s32 $0xFFFFD800;
	s5 =	sshrl.u32 s9, $0x3  }
0x1f: {  	[spmem:s5], [sflag:s22] =	dma.local [hbm:s8], $0x2800  }
0x20: {  	_ =	swait.ge [sflag:s21], $0x2800  }
0x21: {  	[sflag:s21] =	ssyncset.done $0x0  }
0x22: {  	[sflag:s21] =	ssyncadd.s32 $0xFFFFD800  }
0x23: {  	[bflag:$0x0] =	sbarrier.arrive $0xFFFF  }
0x24: {  	s6 =	rddreg [dreg:$0x6]  }
0x25: {  	[tilespmem:s23], [sflag:$0x3] =	stream.linear.gather [hbm4b:s6+s4], $0x50, $0x38;
	[tilespmem:$0x1BA00] =	vst v63  }
0x26: {  	_ =	swait.ge [sflag:s21], $0x50  }
0x27: {  	[sflag:s21] =	ssyncset.done $0x0  }
0x28: {  	[sflag:s21] =	ssyncadd.s32 $0xFFFFFFB0  }
0x29: {  	[tilespmem:s24], [sflag:$0x3] =	stream.linear.gather [hbm4b:s7+s4], $0x50, $0x38;
	[tilespmem:$0x1BA00] =	vst v63  }
0x2a: {  	_ =	swait.ge [sflag:s21], $0x50  }
0x2b: {  	[sflag:s21] =	ssyncset.done $0x0  }
0x2c: {  	[sflag:s21] =	ssyncadd.s32 $0xFFFFFFB0  }
0x2d: {  	v1 =	vld [tilespmem:$0x14080]  }
0x2e: {  	v2 =	vld [tilespmem:$0x14090]  }
0x2f: {  	v3 =	vld [tilespmem:$0x140A0]  }
0x30: {  	v4 =	vld [tilespmem:$0x140B0]  }
0x31: {  	v5 =	vld [tilespmem:$0x140C0]  }
0x32: {  	v1 =	vshll.u32 v1, $0x1  }
0x33: {  	v2 =	vshll.u32 v2, $0x1;
	v1 =	vor.u32 v0, v1  }
0x34: {  	[tilespmem:$0x14080] =	vst v1;
	v1 =	vor.u32 v0, v2;
	v2 =	vshll.u32 v3, $0x1  }
0x35: {  	[tilespmem:$0x14090] =	vst v1;
	v1 =	vor.u32 v0, v2;
	v2 =	vshll.u32 v4, $0x1  }
0x36: {  	[tilespmem:$0x140A0] =	vst v1;
	v1 =	vor.u32 v0, v2;
	v2 =	vshll.u32 v5, $0x1  }
0x37: {  	[tilespmem:$0x140B0] =	vst v1;
	v1 =	vor.u32 v0, v2  }
0x38: {  	s10 =	sadd.s32 $0xFFFFFB28, s17;
	[tilespmem:$0x140C0] =	vst v1  }
0x39: {  	[tilespmem:s26], [sflag:$0x1] =	stream.indirect.gather [hbm4b:s2+s25], $0x80, s24, s25, $0xb8;
	[tilespmem:$0x1BA00] =	vst v63  }
0x3a: {  	s9 =	sadd.s32 $0x5302, s10  }
0x3b: {  	[tilespmem:s28], [sflag:$0x3] =	stream.linear.gather [hbm4b:s9+s4], $0x50, $0x38;
	[tilespmem:$0x1BA00] =	vst v63  }
0x3c: {  	_ =	swait.ge [sflag:s21], $0x50  }
0x3d: {  	[sflag:s21] =	ssyncset.done $0x0  }
0x3e: {  	s11 =	sadd.s32 $0x4E2, s10;
	[sflag:s21] =	ssyncadd.s32 $0xFFFFFFB0  }
0x3f: {  	[tilespmem:s29], [sflag:$0x3] =	stream.linear.gather [hbm4b:s11+s4], $0x50, $0x38;
	[tilespmem:$0x1BA00] =	vst v63  }
0x40: {  	_ =	swait.ge [sflag:s21], $0x50  }
0x41: {  	[sflag:s21] =	ssyncset.done $0x0  }
0x42: {  	[sflag:s21] =	ssyncadd.s32 $0xFFFFFFB0  }
0x43: {  	v1 =	vld [tilespmem:$0x169B0]  }
0x44: {  	v2 =	vld [tilespmem:$0x16990]  }
0x45: {  	v3 =	vld [tilespmem:$0x16980]  }
0x46: {  	v59 =	vld [tilespmem:$0x169A0]  }
0x47: {  	v60 =	vld [tilespmem:$0x169C0]  }
0x48: {  	v1 =	vshll.u32 v1, $0x1  }
0x49: {  	v2 =	vshll.u32 v2, $0x1;
	v1 =	vor.u32 v0, v1  }
0x4a: {  	v3 =	vshll.u32 v3, $0x1;
	v2 =	vor.u32 v0, v2;
	[tilespmem:$0x169B0] =	vst v1  }
0x4b: {  	v1 =	vor.u32 v0, v3;
	[tilespmem:$0x16990] =	vst v2;
	v2 =	vshll.u32 v59, $0x1  }
0x4c: {  	[tilespmem:$0x16980] =	vst v1;
	v1 =	vor.u32 v0, v2;
	v2 =	vshll.u32 v60, $0x1  }
0x4d: {  	[tilespmem:$0x169A0] =	vst v1;
	v1 =	vor.u32 v0, v2  }
0x4e: {  	[tilespmem:$0x169C0] =	vst v1  }
0x4f: {  	[tilespmem:s30], [sflag:$0x2] =	stream.indirect.gather [hbm4b:s2+s25], $0x80, s29, s25, $0xb8;
	[tilespmem:$0x1BA00] =	vst v63  }
0x50: {  	_ =	swait.ge [sflag:s31], $0x2800  }
0x51: {  	[sflag:s31] =	ssyncset.done $0x0  }
0x52: {  	[sflag:s31] =	ssyncadd.s32 $0xFFFFD800  }
0x53: {  	[spmem:s3] =	stream.indirect.scatter.add.f32 [tilespmem:s26], [sflag:$0x3], $0x80, s23, s25, $0xb8;
	[tilespmem:$0x1BA00] =	vst v63  }
0x54: {  	_ =	swait.ge [sflag:s21], $0x2800  }
0x55: {  	[sflag:s21] =	ssyncset.done $0x0  }
0x56: {  	s12 =	sadd.s32 $0x530C, s10;
	[sflag:s21] =	ssyncadd.s32 $0xFFFFD800  }
0x57: {  	[tilespmem:s23], [sflag:$0x3] =	stream.linear.gather [hbm4b:s12+s4], $0x50, $0x38;
	[tilespmem:$0x1BA00] =	vst v63  }
0x58: {  	_ =	swait.ge [sflag:s21], $0x50  }
0x59: {  	[sflag:s21] =	ssyncset.done $0x0  }
0x5a: {  	s6 =	sadd.s32 $0x4EC, s10;
	[sflag:s21] =	ssyncadd.s32 $0xFFFFFFB0  }
0x5b: {  	[tilespmem:s24], [sflag:$0x3] =	stream.linear.gather [hbm4b:s6+s4], $0x50, $0x38;
	[tilespmem:$0x1BA00] =	vst v63  }
0x5c: {  	_ =	swait.ge [sflag:s21], $0x50  }
0x5d: {  	[sflag:s21] =	ssyncset.done $0x0  }
0x5e: {  	[sflag:s21] =	ssyncadd.s32 $0xFFFFFFB0  }
0x5f: {  	v1 =	vld [tilespmem:$0x14080]  }
0x60: {  	v2 =	vld [tilespmem:$0x140C0]  }
0x61: {  	v3 =	vld [tilespmem:$0x140B0]  }
0x62: {  	v61 =	vld [tilespmem:$0x14090]  }
0x63: {  	v62 =	vld [tilespmem:$0x140A0]  }
0x64: {  	v1 =	vshll.u32 v1, $0x1  }
0x65: {  	v2 =	vshll.u32 v2, $0x1;
	v1 =	vor.u32 v0, v1  }
0x66: {  	v2 =	vor.u32 v0, v2;
	[tilespmem:$0x14080] =	vst v1;
	v1 =	vshll.u32 v3, $0x1  }
0x67: {  	v3 =	vshll.u32 v61, $0x1;
	[tilespmem:$0x140C0] =	vst v2;
	v63 =	vor.u32 v0, v1  }
0x68: {  	s6 =	simm.s32 $0xFFFFFB3C;
	v2 =	vshll.u32 v62, $0x1;
	v1 =	vor.u32 v0, v3;
	[tilespmem:$0x140B0] =	vst v63  }
.LBB2_2:
0x69: {  	p0 =	sne.s32 s6, $0xFFFFFFEC;
	[tilespmem:$0x14090] =	vst v1;
	v1 =	vor.u32 v0, v2;
	s9 =	smov.u32 s6;
	s6 =	sadd.s32 $0x14, s6  }
0x6a: {  	[tilespmem:$0x140A0] =	vst v1  }
0x6b: {  	[tilespmem:s26], [sflag:$0x1] =	stream.indirect.gather [hbm4b:s2+s25], $0x80, s24, s25, $0xb8;
	[tilespmem:$0x1BA00] =	vst v63  }
0x6c: {  	_ =	swait.ge [sflag:s1], $0x2800  }
0x6d: {  	[sflag:s1] =	ssyncset.done $0x0  }
0x6e: {  	[sflag:s1] =	ssyncadd.s32 $0xFFFFD800  }
0x6f: {  	[spmem:s3] =	stream.indirect.scatter.add.f32 [tilespmem:s30], [sflag:$0x3], $0x80, s28, s25, $0xb8;
	[tilespmem:$0x1BA00] =	vst v63  }
0x70: {  	s9 =	sadd.s32 s9, s17;
	_ =	swait.ge [sflag:s21], $0x2800  }
0x71: {  	s10 =	sadd.s32 $0x5302, s9;
	[sflag:s21] =	ssyncset.done $0x0  }
0x72: {  	[sflag:s21] =	ssyncadd.s32 $0xFFFFD800  }
0x73: {  	[tilespmem:s28], [sflag:$0x3] =	stream.linear.gather [hbm4b:s10+s4], $0x50, $0x38;
	[tilespmem:$0x1BA00] =	vst v63  }
0x74: {  	_ =	swait.ge [sflag:s21], $0x50  }
0x75: {  	[sflag:s21] =	ssyncset.done $0x0  }
0x76: {  	s10 =	sadd.s32 $0x4E2, s9;
	[sflag:s21] =	ssyncadd.s32 $0xFFFFFFB0  }
0x77: {  	[tilespmem:s29], [sflag:$0x3] =	stream.linear.gather [hbm4b:s10+s4], $0x50, $0x38;
	[tilespmem:$0x1BA00] =	vst v63  }
0x78: {  	_ =	swait.ge [sflag:s21], $0x50  }
0x79: {  	[sflag:s21] =	ssyncset.done $0x0  }
0x7a: {  	[sflag:s21] =	ssyncadd.s32 $0xFFFFFFB0  }
0x7b: {  	v1 =	vld [tilespmem:$0x169B0]  }
0x7c: {  	v2 =	vld [tilespmem:$0x16990]  }
0x7d: {  	v3 =	vld [tilespmem:$0x16980]  }
0x7e: {  	v4 =	vld [tilespmem:$0x169A0]  }
0x7f: {  	v5 =	vld [tilespmem:$0x169C0]  }
0x80: {  	v1 =	vshll.u32 v1, $0x1  }
0x81: {  	v2 =	vshll.u32 v2, $0x1;
	v1 =	vor.u32 v0, v1  }
0x82: {  	v3 =	vshll.u32 v3, $0x1;
	v2 =	vor.u32 v0, v2;
	[tilespmem:$0x169B0] =	vst v1  }
0x83: {  	v1 =	vor.u32 v0, v3;
	[tilespmem:$0x16990] =	vst v2;
	v2 =	vshll.u32 v4, $0x1  }
0x84: {  	[tilespmem:$0x16980] =	vst v1;
	v1 =	vor.u32 v0, v2;
	v2 =	vshll.u32 v5, $0x1  }
0x85: {  	[tilespmem:$0x169A0] =	vst v1;
	v1 =	vor.u32 v0, v2  }
0x86: {  	[tilespmem:$0x169C0] =	vst v1  }
0x87: {  	[tilespmem:s30], [sflag:$0x2] =	stream.indirect.gather [hbm4b:s2+s25], $0x80, s29, s25, $0xb8;
	[tilespmem:$0x1BA00] =	vst v63  }
0x88: {  	_ =	swait.ge [sflag:s31], $0x2800  }
0x89: {  	[sflag:s31] =	ssyncset.done $0x0  }
0x8a: {  	[sflag:s31] =	ssyncadd.s32 $0xFFFFD800  }
0x8b: {  	[spmem:s3] =	stream.indirect.scatter.add.f32 [tilespmem:s26], [sflag:$0x3], $0x80, s23, s25, $0xb8;
	[tilespmem:$0x1BA00] =	vst v63  }
0x8c: {  	_ =	swait.ge [sflag:s21], $0x2800  }
0x8d: {  	[sflag:s21] =	ssyncset.done $0x0  }
0x8e: {  	s10 =	sadd.s32 $0x530C, s9;
	[sflag:s21] =	ssyncadd.s32 $0xFFFFD800  }
0x8f: {  	[tilespmem:s23], [sflag:$0x3] =	stream.linear.gather [hbm4b:s10+s4], $0x50, $0x38;
	[tilespmem:$0x1BA00] =	vst v63  }
0x90: {  	_ =	swait.ge [sflag:s21], $0x50  }
0x91: {  	[sflag:s21] =	ssyncset.done $0x0  }
0x92: {  	s9 =	sadd.s32 $0x4EC, s9;
	[sflag:s21] =	ssyncadd.s32 $0xFFFFFFB0  }
0x93: {  	[tilespmem:s24], [sflag:$0x3] =	stream.linear.gather [hbm4b:s9+s4], $0x50, $0x38;
	[tilespmem:$0x1BA00] =	vst v63  }
0x94: {  	_ =	swait.ge [sflag:s21], $0x50  }
0x95: {  	[sflag:s21] =	ssyncset.done $0x0  }
0x96: {  	[sflag:s21] =	ssyncadd.s32 $0xFFFFFFB0  }
0x97: {  	v1 =	vld [tilespmem:$0x14080]  }
0x98: {  	v2 =	vld [tilespmem:$0x140C0]  }
0x99: {  	v3 =	vld [tilespmem:$0x140B0]  }
0x9a: {  	v4 =	vld [tilespmem:$0x14090]  }
0x9b: {  	v5 =	vld [tilespmem:$0x140A0]  }
.Ltmp0:
0x9c: {  	v1 =	vshll.u32 v1, $0x1;
	(pc) =	sbr.rel @p0 .LBB2_2-.Ltmp0, $4  }
0x9d: {  	v1 =	vor.u32 v0, v1;
	v2 =	vshll.u32 v2, $0x1  }
0x9e: {  	[tilespmem:$0x14080] =	vst v1;
	v1 =	vshll.u32 v3, $0x1;
	v2 =	vor.u32 v0, v2  }
0x9f: {  	v3 =	vshll.u32 v4, $0x1;
	v4 =	vor.u32 v0, v1;
	[tilespmem:$0x140C0] =	vst v2  }
0xa0: {  	v1 =	vor.u32 v0, v3;
	v2 =	vshll.u32 v5, $0x1;
	[tilespmem:$0x140B0] =	vst v4  }
0xa1: {  	[tilespmem:$0x14090] =	vst v1;
	v1 =	vor.u32 v0, v2  }
0xa2: {  	[tilespmem:$0x140A0] =	vst v1  }
0xa3: {  	[tilespmem:s26], [sflag:$0x1] =	stream.indirect.gather [hbm4b:s2+s25], $0x80, s24, s25, $0xb8;
	[tilespmem:$0x1BA00] =	vst v63  }
0xa4: {  	_ =	swait.ge [sflag:s1], $0x2800  }
0xa5: {  	[sflag:s1] =	ssyncset.done $0x0  }
0xa6: {  	[sflag:s1] =	ssyncadd.s32 $0xFFFFD800  }
0xa7: {  	[spmem:s3] =	stream.indirect.scatter.add.f32 [tilespmem:s30], [sflag:$0x3], $0x80, s28, s25, $0xb8;
	[tilespmem:$0x1BA00] =	vst v63  }
0xa8: {  	_ =	swait.ge [sflag:s21], $0x2800  }
0xa9: {  	[sflag:s21] =	ssyncset.done $0x0  }
0xaa: {  	[sflag:s21] =	ssyncadd.s32 $0xFFFFD800  }
0xab: {  	_ =	swait.ge [sflag:s31], $0x2800  }
0xac: {  	[sflag:s31] =	ssyncset.done $0x0  }
0xad: {  	[sflag:s31] =	ssyncadd.s32 $0xFFFFD800  }
0xae: {  	[spmem:s3] =	stream.indirect.scatter.add.f32 [tilespmem:s26], [sflag:$0x3], $0x80, s23, s25, $0xb8;
	[tilespmem:$0x1BA00] =	vst v63  }
0xaf: {  	_ =	swait.ge [sflag:s21], $0x2800  }
0xb0: {  	[sflag:s21] =	ssyncset.done $0x0  }
0xb1: {  	[sflag:s21] =	ssyncadd.s32 $0xFFFFD800  }
0xb2: {  	[bflag:$0x0] =	sbarrier.arrive $0xFFFF  }
0xb3: {  	s6 =	rddreg [dreg:$0x7]  }
0xb4: {  	[hbm:s6], [sflag:s22] =	dma.local [spmem:s5], $0x2800  }
0xb5: {  	_ =	swait.ge [sflag:s21], $0x2800  }
0xb6: {  	[sflag:s21] =	ssyncset.done $0x0  }
0xb7: {  	[sflag:s21] =	ssyncadd.s32 $0xFFFFD800  }
0xb8: {  	[bflag:$0x0] =	sbarrier.arrive $0xFFFF  }
0xb9: {  	[spmem:s5], [sflag:s22] =	dma.local [hbm:s8], $0x2800  }
0xba: {  	_ =	swait.ge [sflag:s21], $0x2800  }
0xbb: {  	[sflag:s21] =	ssyncset.done $0x0  }
0xbc: {  	[sflag:s21] =	ssyncadd.s32 $0xFFFFD800  }
0xbd: {  	[bflag:$0x0] =	sbarrier.arrive $0xFFFF  }
0xbe: {  	s12 =	rddreg [dreg:$0x8]  }
0xbf: {  	[tilespmem:s23], [sflag:$0x3] =	stream.linear.gather [hbm4b:s12+s4], $0x50, $0x38;
	[tilespmem:$0x1BA00] =	vst v63  }
0xc0: {  	_ =	swait.ge [sflag:s21], $0x50  }
0xc1: {  	[sflag:s21] =	ssyncset.done $0x0  }
0xc2: {  	s9 =	rddreg [dreg:$0x9];
	[sflag:s21] =	ssyncadd.s32 $0xFFFFFFB0  }
0xc3: {  	[tilespmem:s24], [sflag:$0x3] =	stream.linear.gather [hbm4b:s9+s4], $0x50, $0x38;
	[tilespmem:$0x1BA00] =	vst v63  }
0xc4: {  	_ =	swait.ge [sflag:s21], $0x50  }
0xc5: {  	[sflag:s21] =	ssyncset.done $0x0  }
0xc6: {  	[sflag:s21] =	ssyncadd.s32 $0xFFFFFFB0  }
0xc7: {  	v1 =	vld [tilespmem:$0x14080]  }
0xc8: {  	v2 =	vld [tilespmem:$0x14090]  }
0xc9: {  	v3 =	vld [tilespmem:$0x140A0]  }
0xca: {  	v4 =	vld [tilespmem:$0x140B0]  }
0xcb: {  	v5 =	vld [tilespmem:$0x140C0]  }
0xcc: {  	v1 =	vshll.u32 v1, $0x1  }
0xcd: {  	v2 =	vshll.u32 v2, $0x1;
	v1 =	vor.u32 v0, v1  }
0xce: {  	[tilespmem:$0x14080] =	vst v1;
	v1 =	vor.u32 v0, v2;
	v2 =	vshll.u32 v3, $0x1  }
0xcf: {  	[tilespmem:$0x14090] =	vst v1;
	v1 =	vor.u32 v0, v2;
	v2 =	vshll.u32 v4, $0x1  }
0xd0: {  	[tilespmem:$0x140A0] =	vst v1;
	v1 =	vor.u32 v0, v2;
	v2 =	vshll.u32 v5, $0x1  }
0xd1: {  	[tilespmem:$0x140B0] =	vst v1;
	v1 =	vor.u32 v0, v2  }
0xd2: {  	s10 =	sadd.s32 $0xFFFFFB28, s17;
	[tilespmem:$0x140C0] =	vst v1  }
0xd3: {  	[tilespmem:s26], [sflag:$0x1] =	stream.indirect.gather [hbm4b:s2+s25], $0x80, s24, s25, $0xb8;
	[tilespmem:$0x1BA00] =	vst v63  }
0xd4: {  	s9 =	sadd.s32 $0xEF42, s10  }
0xd5: {  	[tilespmem:s28], [sflag:$0x3] =	stream.linear.gather [hbm4b:s9+s4], $0x50, $0x38;
	[tilespmem:$0x1BA00] =	vst v63  }
0xd6: {  	_ =	swait.ge [sflag:s21], $0x50  }
0xd7: {  	[sflag:s21] =	ssyncset.done $0x0  }
0xd8: {  	s11 =	sadd.s32 $0xA122, s10;
	[sflag:s21] =	ssyncadd.s32 $0xFFFFFFB0  }
0xd9: {  	[tilespmem:s29], [sflag:$0x3] =	stream.linear.gather [hbm4b:s11+s4], $0x50, $0x38;
	[tilespmem:$0x1BA00] =	vst v63  }
0xda: {  	_ =	swait.ge [sflag:s21], $0x50  }
0xdb: {  	[sflag:s21] =	ssyncset.done $0x0  }
0xdc: {  	[sflag:s21] =	ssyncadd.s32 $0xFFFFFFB0  }
0xdd: {  	v1 =	vld [tilespmem:$0x169B0]  }
0xde: {  	v2 =	vld [tilespmem:$0x16990]  }
0xdf: {  	v3 =	vld [tilespmem:$0x16980]  }
0xe0: {  	v59 =	vld [tilespmem:$0x169A0]  }
0xe1: {  	v60 =	vld [tilespmem:$0x169C0]  }
0xe2: {  	v1 =	vshll.u32 v1, $0x1  }
0xe3: {  	v2 =	vshll.u32 v2, $0x1;
	v1 =	vor.u32 v0, v1  }
0xe4: {  	v3 =	vshll.u32 v3, $0x1;
	v2 =	vor.u32 v0, v2;
	[tilespmem:$0x169B0] =	vst v1  }
0xe5: {  	v1 =	vor.u32 v0, v3;
	[tilespmem:$0x16990] =	vst v2;
	v2 =	vshll.u32 v59, $0x1  }
0xe6: {  	[tilespmem:$0x16980] =	vst v1;
	v1 =	vor.u32 v0, v2;
	v2 =	vshll.u32 v60, $0x1  }
0xe7: {  	[tilespmem:$0x169A0] =	vst v1;
	v1 =	vor.u32 v0, v2  }
0xe8: {  	[tilespmem:$0x169C0] =	vst v1  }
0xe9: {  	[tilespmem:s30], [sflag:$0x2] =	stream.indirect.gather [hbm4b:s2+s25], $0x80, s29, s25, $0xb8;
	[tilespmem:$0x1BA00] =	vst v63  }
0xea: {  	_ =	swait.ge [sflag:s31], $0x2800  }
0xeb: {  	[sflag:s31] =	ssyncset.done $0x0  }
0xec: {  	[sflag:s31] =	ssyncadd.s32 $0xFFFFD800  }
0xed: {  	[spmem:s3] =	stream.indirect.scatter.add.f32 [tilespmem:s26], [sflag:$0x3], $0x80, s23, s25, $0xb8;
	[tilespmem:$0x1BA00] =	vst v63  }
0xee: {  	_ =	swait.ge [sflag:s21], $0x2800  }
0xef: {  	[sflag:s21] =	ssyncset.done $0x0  }
0xf0: {  	s12 =	sadd.s32 $0xEF4C, s10;
	[sflag:s21] =	ssyncadd.s32 $0xFFFFD800  }
0xf1: {  	[tilespmem:s23], [sflag:$0x3] =	stream.linear.gather [hbm4b:s12+s4], $0x50, $0x38;
	[tilespmem:$0x1BA00] =	vst v63  }
0xf2: {  	_ =	swait.ge [sflag:s21], $0x50  }
0xf3: {  	[sflag:s21] =	ssyncset.done $0x0  }
0xf4: {  	s6 =	sadd.s32 $0xA12C, s10;
	[sflag:s21] =	ssyncadd.s32 $0xFFFFFFB0  }
0xf5: {  	[tilespmem:s24], [sflag:$0x3] =	stream.linear.gather [hbm4b:s6+s4], $0x50, $0x38;
	[tilespmem:$0x1BA00] =	vst v63  }
0xf6: {  	_ =	swait.ge [sflag:s21], $0x50  }
0xf7: {  	[sflag:s21] =	ssyncset.done $0x0  }
0xf8: {  	[sflag:s21] =	ssyncadd.s32 $0xFFFFFFB0  }
0xf9: {  	v1 =	vld [tilespmem:$0x14080]  }
0xfa: {  	v2 =	vld [tilespmem:$0x140C0]  }
0xfb: {  	v3 =	vld [tilespmem:$0x140B0]  }
0xfc: {  	v61 =	vld [tilespmem:$0x14090]  }
0xfd: {  	v62 =	vld [tilespmem:$0x140A0]  }
0xfe: {  	v1 =	vshll.u32 v1, $0x1  }
0xff: {  	v2 =	vshll.u32 v2, $0x1;
	v1 =	vor.u32 v0, v1  }
0x100: {  	v2 =	vor.u32 v0, v2;
	[tilespmem:$0x14080] =	vst v1;
	v1 =	vshll.u32 v3, $0x1  }
0x101: {  	v3 =	vshll.u32 v61, $0x1;
	[tilespmem:$0x140C0] =	vst v2;
	v63 =	vor.u32 v0, v1  }
0x102: {  	s6 =	simm.s32 $0xFFFFFB3C;
	v2 =	vshll.u32 v62, $0x1;
	v1 =	vor.u32 v0, v3;
	[tilespmem:$0x140B0] =	vst v63  }
.LBB2_4:
0x103: {  	p0 =	sne.s32 s6, $0xFFFFFFEC;
	[tilespmem:$0x14090] =	vst v1;
	v1 =	vor.u32 v0, v2;
	s9 =	smov.u32 s6;
	s6 =	sadd.s32 $0x14, s6  }
0x104: {  	[tilespmem:$0x140A0] =	vst v1  }
0x105: {  	[tilespmem:s26], [sflag:$0x1] =	stream.indirect.gather [hbm4b:s2+s25], $0x80, s24, s25, $0xb8;
	[tilespmem:$0x1BA00] =	vst v63  }
0x106: {  	_ =	swait.ge [sflag:s1], $0x2800  }
0x107: {  	[sflag:s1] =	ssyncset.done $0x0  }
0x108: {  	[sflag:s1] =	ssyncadd.s32 $0xFFFFD800  }
0x109: {  	[spmem:s3] =	stream.indirect.scatter.add.f32 [tilespmem:s30], [sflag:$0x3], $0x80, s28, s25, $0xb8;
	[tilespmem:$0x1BA00] =	vst v63  }
0x10a: {  	s9 =	sadd.s32 s9, s17;
	_ =	swait.ge [sflag:s21], $0x2800  }
0x10b: {  	s10 =	sadd.s32 $0xEF42, s9;
	[sflag:s21] =	ssyncset.done $0x0  }
0x10c: {  	[sflag:s21] =	ssyncadd.s32 $0xFFFFD800  }
0x10d: {  	[tilespmem:s28], [sflag:$0x3] =	stream.linear.gather [hbm4b:s10+s4], $0x50, $0x38;
	[tilespmem:$0x1BA00] =	vst v63  }
0x10e: {  	_ =	swait.ge [sflag:s21], $0x50  }
0x10f: {  	[sflag:s21] =	ssyncset.done $0x0  }
0x110: {  	s10 =	sadd.s32 $0xA122, s9;
	[sflag:s21] =	ssyncadd.s32 $0xFFFFFFB0  }
0x111: {  	[tilespmem:s29], [sflag:$0x3] =	stream.linear.gather [hbm4b:s10+s4], $0x50, $0x38;
	[tilespmem:$0x1BA00] =	vst v63  }
0x112: {  	_ =	swait.ge [sflag:s21], $0x50  }
0x113: {  	[sflag:s21] =	ssyncset.done $0x0  }
0x114: {  	[sflag:s21] =	ssyncadd.s32 $0xFFFFFFB0  }
0x115: {  	v1 =	vld [tilespmem:$0x169B0]  }
0x116: {  	v2 =	vld [tilespmem:$0x16990]  }
0x117: {  	v3 =	vld [tilespmem:$0x16980]  }
0x118: {  	v4 =	vld [tilespmem:$0x169A0]  }
0x119: {  	v5 =	vld [tilespmem:$0x169C0]  }
0x11a: {  	v1 =	vshll.u32 v1, $0x1  }
0x11b: {  	v2 =	vshll.u32 v2, $0x1;
	v1 =	vor.u32 v0, v1  }
0x11c: {  	v3 =	vshll.u32 v3, $0x1;
	v2 =	vor.u32 v0, v2;
	[tilespmem:$0x169B0] =	vst v1  }
0x11d: {  	v1 =	vor.u32 v0, v3;
	[tilespmem:$0x16990] =	vst v2;
	v2 =	vshll.u32 v4, $0x1  }
0x11e: {  	[tilespmem:$0x16980] =	vst v1;
	v1 =	vor.u32 v0, v2;
	v2 =	vshll.u32 v5, $0x1  }
0x11f: {  	[tilespmem:$0x169A0] =	vst v1;
	v1 =	vor.u32 v0, v2  }
0x120: {  	[tilespmem:$0x169C0] =	vst v1  }
0x121: {  	[tilespmem:s30], [sflag:$0x2] =	stream.indirect.gather [hbm4b:s2+s25], $0x80, s29, s25, $0xb8;
	[tilespmem:$0x1BA00] =	vst v63  }
0x122: {  	_ =	swait.ge [sflag:s31], $0x2800  }
0x123: {  	[sflag:s31] =	ssyncset.done $0x0  }
0x124: {  	[sflag:s31] =	ssyncadd.s32 $0xFFFFD800  }
0x125: {  	[spmem:s3] =	stream.indirect.scatter.add.f32 [tilespmem:s26], [sflag:$0x3], $0x80, s23, s25, $0xb8;
	[tilespmem:$0x1BA00] =	vst v63  }
0x126: {  	_ =	swait.ge [sflag:s21], $0x2800  }
0x127: {  	[sflag:s21] =	ssyncset.done $0x0  }
0x128: {  	s10 =	sadd.s32 $0xEF4C, s9;
	[sflag:s21] =	ssyncadd.s32 $0xFFFFD800  }
0x129: {  	[tilespmem:s23], [sflag:$0x3] =	stream.linear.gather [hbm4b:s10+s4], $0x50, $0x38;
	[tilespmem:$0x1BA00] =	vst v63  }
0x12a: {  	_ =	swait.ge [sflag:s21], $0x50  }
0x12b: {  	[sflag:s21] =	ssyncset.done $0x0  }
0x12c: {  	s9 =	sadd.s32 $0xA12C, s9;
	[sflag:s21] =	ssyncadd.s32 $0xFFFFFFB0  }
0x12d: {  	[tilespmem:s24], [sflag:$0x3] =	stream.linear.gather [hbm4b:s9+s4], $0x50, $0x38;
	[tilespmem:$0x1BA00] =	vst v63  }
0x12e: {  	_ =	swait.ge [sflag:s21], $0x50  }
0x12f: {  	[sflag:s21] =	ssyncset.done $0x0  }
0x130: {  	[sflag:s21] =	ssyncadd.s32 $0xFFFFFFB0  }
0x131: {  	v1 =	vld [tilespmem:$0x14080]  }
0x132: {  	v2 =	vld [tilespmem:$0x140C0]  }
0x133: {  	v3 =	vld [tilespmem:$0x140B0]  }
0x134: {  	v4 =	vld [tilespmem:$0x14090]  }
0x135: {  	v5 =	vld [tilespmem:$0x140A0]  }
.Ltmp1:
0x136: {  	v1 =	vshll.u32 v1, $0x1;
	(pc) =	sbr.rel @p0 .LBB2_4-.Ltmp1, $4  }
0x137: {  	v1 =	vor.u32 v0, v1;
	v2 =	vshll.u32 v2, $0x1  }
0x138: {  	[tilespmem:$0x14080] =	vst v1;
	v1 =	vshll.u32 v3, $0x1;
	v2 =	vor.u32 v0, v2  }
0x139: {  	v3 =	vshll.u32 v4, $0x1;
	v4 =	vor.u32 v0, v1;
	[tilespmem:$0x140C0] =	vst v2  }
0x13a: {  	v1 =	vor.u32 v0, v3;
	v2 =	vshll.u32 v5, $0x1;
	[tilespmem:$0x140B0] =	vst v4  }
0x13b: {  	[tilespmem:$0x14090] =	vst v1;
	v1 =	vor.u32 v0, v2  }
0x13c: {  	[tilespmem:$0x140A0] =	vst v1  }
0x13d: {  	[tilespmem:s26], [sflag:$0x1] =	stream.indirect.gather [hbm4b:s2+s25], $0x80, s24, s25, $0xb8;
	[tilespmem:$0x1BA00] =	vst v63  }
0x13e: {  	_ =	swait.ge [sflag:s1], $0x2800  }
0x13f: {  	[sflag:s1] =	ssyncset.done $0x0  }
0x140: {  	[sflag:s1] =	ssyncadd.s32 $0xFFFFD800  }
0x141: {  	[spmem:s3] =	stream.indirect.scatter.add.f32 [tilespmem:s30], [sflag:$0x3], $0x80, s28, s25, $0xb8;
	[tilespmem:$0x1BA00] =	vst v63  }
0x142: {  	_ =	swait.ge [sflag:s21], $0x2800  }
0x143: {  	[sflag:s21] =	ssyncset.done $0x0  }
0x144: {  	[sflag:s21] =	ssyncadd.s32 $0xFFFFD800  }
0x145: {  	_ =	swait.ge [sflag:s31], $0x2800  }
0x146: {  	[sflag:s31] =	ssyncset.done $0x0  }
0x147: {  	[sflag:s31] =	ssyncadd.s32 $0xFFFFD800  }
0x148: {  	[spmem:s3] =	stream.indirect.scatter.add.f32 [tilespmem:s26], [sflag:$0x3], $0x80, s23, s25, $0xb8;
	[tilespmem:$0x1BA00] =	vst v63  }
0x149: {  	_ =	swait.ge [sflag:s21], $0x2800  }
0x14a: {  	[sflag:s21] =	ssyncset.done $0x0  }
0x14b: {  	[sflag:s21] =	ssyncadd.s32 $0xFFFFD800  }
0x14c: {  	[bflag:$0x0] =	sbarrier.arrive $0xFFFF  }
0x14d: {  	[hbm:s13], [sflag:s22] =	dma.local [spmem:s5], $0x2800  }
0x14e: {  	_ =	swait.ge [sflag:s21], $0x2800  }
0x14f: {  	[sflag:s21] =	ssyncset.done $0x0  }
0x150: {  	[sflag:s21] =	ssyncadd.s32 $0xFFFFD800  }
0x151: {  	[bflag:$0x0] =	sbarrier.arrive $0xFFFF  }
0x152: {  	[spmem:s5], [sflag:s22] =	dma.local [hbm:s8], $0x2800  }
0x153: {  	_ =	swait.ge [sflag:s21], $0x2800  }
0x154: {  	[sflag:s21] =	ssyncset.done $0x0  }
0x155: {  	[sflag:s21] =	ssyncadd.s32 $0xFFFFD800  }
0x156: {  	s6 =	simm.s32 $0x0;
	[bflag:$0x0] =	sbarrier.arrive $0xFFFF  }
0x157: {  	[tilespmem:s23], [sflag:$0x1] =	stream.linear.gather [hbm4b:s14+s6], $0x50, $0x38;
	[tilespmem:$0x1BA00] =	vst v63  }
0x158: {  	s11 =	sadd.s32 $0x0, s19  }
0x159: {  	[tilespmem:s28], [sflag:$0x2] =	stream.linear.gather [hbm4b:s11+s4], $0x50, $0x38;
	[tilespmem:$0x1BA00] =	vst v63  }
0x15a: {  	_ =	swait.ge [sflag:s31], $0x50  }
0x15b: {  	[sflag:s31] =	ssyncset.done $0x0  }
0x15c: {  	[sflag:s31] =	ssyncadd.s32 $0xFFFFFFB0  }
0x15d: {  	[spmem:s3] =	stream.indirect.scatter.add.f32 [tilespmem:s20], [sflag:$0x3], $0x80, s23, s25, $0xb8;
	[tilespmem:$0x1BA00] =	vst v63  }
0x15e: {  	_ =	swait.ge [sflag:s21], $0x2800  }
0x15f: {  	[sflag:s21] =	ssyncset.done $0x0  }
0x160: {  	s12 =	sadd.s32 $0x0, s18;
	[sflag:s21] =	ssyncadd.s32 $0xFFFFD800  }
0x161: {  	[tilespmem:s23], [sflag:$0x1] =	stream.linear.gather [hbm4b:s12+s4], $0x50, $0x38;
	[tilespmem:$0x1BA00] =	vst v63  }
0x162: {  	_ =	swait.ge [sflag:s1], $0x50  }
0x163: {  	[sflag:s1] =	ssyncset.done $0x0  }
0x164: {  	[sflag:s1] =	ssyncadd.s32 $0xFFFFFFB0  }
0x165: {  	[spmem:s3] =	stream.indirect.scatter.add.f32 [tilespmem:s20], [sflag:$0x3], $0x80, s28, s25, $0xb8;
	[tilespmem:$0x1BA00] =	vst v63  }
0x166: {  	_ =	swait.ge [sflag:s21], $0x2800  }
0x167: {  	s9 =	simm.s32 $0x28;
	s6 =	simm.s32 $0x14;
	[sflag:s21] =	ssyncset.done $0x0  }
.LBB2_6:
0x168: {  	s10 =	sadd.s32 s6, s19  }
0x169: {  	[sflag:s21] =	ssyncadd.s32 $0xFFFFD800;
	s11 =	smov.u32 s9;
	s12 =	sadd.s32 $0x14, s9  }
0x16a: {  	[tilespmem:s28], [sflag:$0x2] =	stream.linear.gather [hbm4b:s10+s4], $0x50, $0x38;
	[tilespmem:$0x1BA00] =	vst v63  }
0x16b: {  	p0 =	sne.s32 s9, $0x4C4;
	_ =	swait.ge [sflag:s31], $0x50  }
0x16c: {  	[sflag:s31] =	ssyncset.done $0x0  }
0x16d: {  	[sflag:s31] =	ssyncadd.s32 $0xFFFFFFB0  }
0x16e: {  	[spmem:s3] =	stream.indirect.scatter.add.f32 [tilespmem:s20], [sflag:$0x3], $0x80, s23, s25, $0xb8;
	[tilespmem:$0x1BA00] =	vst v63  }
0x16f: {  	_ =	swait.ge [sflag:s21], $0x2800  }
0x170: {  	[sflag:s21] =	ssyncset.done $0x0  }
0x171: {  	s9 =	sadd.s32 s6, s18;
	s6 =	smov.u32 s11;
	[sflag:s21] =	ssyncadd.s32 $0xFFFFD800  }
0x172: {  	[tilespmem:s23], [sflag:$0x1] =	stream.linear.gather [hbm4b:s9+s4], $0x50, $0x38;
	[tilespmem:$0x1BA00] =	vst v63  }
0x173: {  	_ =	swait.ge [sflag:s1], $0x50  }
.Ltmp2:
0x174: {  	[sflag:s1] =	ssyncset.done $0x0;
	(pc) =	sbr.rel @p0 .LBB2_6-.Ltmp2, $4  }
0x175: {  	[sflag:s1] =	ssyncadd.s32 $0xFFFFFFB0  }
0x176: {  	[spmem:s3] =	stream.indirect.scatter.add.f32 [tilespmem:s20], [sflag:$0x3], $0x80, s28, s25, $0xb8;
	[tilespmem:$0x1BA00] =	vst v63  }
0x177: {  	_ =	swait.ge [sflag:s21], $0x2800  }
0x178: {  	s9 =	smov.u32 s12;
	[sflag:s21] =	ssyncset.done $0x0  }
0x179: {  	s9 =	sadd.s32 s6, s19;
	[sflag:s21] =	ssyncadd.s32 $0xFFFFD800  }
0x17a: {  	[tilespmem:s28], [sflag:$0x2] =	stream.linear.gather [hbm4b:s9+s4], $0x50, $0x38;
	[tilespmem:$0x1BA00] =	vst v63  }
0x17b: {  	_ =	swait.ge [sflag:s31], $0x50  }
0x17c: {  	[sflag:s31] =	ssyncset.done $0x0  }
0x17d: {  	[sflag:s31] =	ssyncadd.s32 $0xFFFFFFB0  }
0x17e: {  	[spmem:s3] =	stream.indirect.scatter.add.f32 [tilespmem:s20], [sflag:$0x3], $0x80, s23, s25, $0xb8;
	[tilespmem:$0x1BA00] =	vst v63  }
0x17f: {  	_ =	swait.ge [sflag:s21], $0x2800  }
0x180: {  	[sflag:s21] =	ssyncset.done $0x0  }
0x181: {  	s12 =	sadd.s32 s6, s18;
	[sflag:s21] =	ssyncadd.s32 $0xFFFFD800  }
0x182: {  	[tilespmem:s23], [sflag:$0x1] =	stream.linear.gather [hbm4b:s12+s4], $0x50, $0x38;
	[tilespmem:$0x1BA00] =	vst v63  }
0x183: {  	_ =	swait.ge [sflag:s1], $0x50  }
0x184: {  	[sflag:s1] =	ssyncset.done $0x0  }
0x185: {  	[sflag:s1] =	ssyncadd.s32 $0xFFFFFFB0  }
0x186: {  	[spmem:s3] =	stream.indirect.scatter.add.f32 [tilespmem:s20], [sflag:$0x3], $0x80, s28, s25, $0xb8;
	[tilespmem:$0x1BA00] =	vst v63  }
0x187: {  	_ =	swait.ge [sflag:s21], $0x2800  }
0x188: {  	[sflag:s21] =	ssyncset.done $0x0  }
0x189: {  	[sflag:s21] =	ssyncadd.s32 $0xFFFFD800  }
0x18a: {  	_ =	swait.ge [sflag:s31], $0x50  }
0x18b: {  	[sflag:s31] =	ssyncset.done $0x0  }
0x18c: {  	[sflag:s31] =	ssyncadd.s32 $0xFFFFFFB0  }
0x18d: {  	[spmem:s3] =	stream.indirect.scatter.add.f32 [tilespmem:s20], [sflag:$0x3], $0x80, s23, s25, $0xb8;
	[tilespmem:$0x1BA00] =	vst v63  }
0x18e: {  	_ =	swait.ge [sflag:s21], $0x2800  }
0x18f: {  	s0 =	sadd.s32 $0x1, s0;
	[sflag:s21] =	ssyncset.done $0x0  }
0x190: {  	p0 =	sne.s32 s0, s16;
	[sflag:s21] =	ssyncadd.s32 $0xFFFFD800  }
.Ltmp3:
0x191: {  	[bflag:$0x0] =	sbarrier.arrive $0xFFFF;
	(pc) =	sbr.rel @p0 .LBB2_1-.Ltmp3, $4  }
0x192: {  	[hbm:s15], [sflag:s22] =	dma.local [spmem:s5], $0x2800  }
0x193: {  	_ =	swait.ge [sflag:s21], $0x2800  }
0x194: {  	[sflag:s21] =	ssyncset.done $0x0  }
0x195: {  	[sflag:s21] =	ssyncadd.s32 $0xFFFFD800  }
0x196: {  	_ =	sfence.sel $0x180000  }
0x197: {  	[bflag:$0x0] =	sbarrier.arrive $0xFFFF  }
0x198: {  	_ =	strace $0x90000047  }
0x199: {  	s0 =	stileid.u32;
	[bflag:$0x2] =	sbarrier.arrive $0xFFFF  }
0x19a: {  	p0 =	sne.s32 s0, $0x0;
	s0 =	rddreg [dreg:$0x3]  }
0x19b: {  	s0 =	sadd.s32 @!p0 $0x100000, s0  }
0x19c: {  	[sflag:s0] =	ssyncadd.tile.s32 @!p0 $0x1;
	_ =	shalt  }
.Lfunc_end2:
_tile_overlayer_lowered:
.L_overlay_start_2:
0x19d: {  	(tag) =	ssettag $0x2  }
0x19e: {  	s0 =	rddreg [dreg:$0x0];
	s2 =	stileid.u32  }
0x19f: {  	s1 =	rddreg [dreg:$0x1];
	p0 =	sne.s32 s2, $0x0  }
0x1a0: {  	s3 =	rddreg [dreg:$0x2];
	[bflag:$0x3] =	sbarrier.arrive $0xFFFF;
	s2 =	simm.s32 @!p0 $0x1C03  }
0x1a1: {  	[timem:s3], [sflag:s2] =	dma.local @!p0 [hbm:s0], s1  }
0x1a2: {  	s0 =	simm.s32 @!p0 $0x3  }
0x1a3: {  	_ =	swait.ge @!p0 [sflag:s0], s1  }
0x1a4: {  	s1 =	ssub.s32 @!p0 $0x0, s1;
	[sflag:s0] =	ssyncset.done @!p0 $0x0  }
0x1a5: {  	[sflag:s0] =	ssyncadd.s32 @!p0 s1  }
0x1a6: {  	[bflag:$0x3] =	sbarrier.arrive $0xFFFF  }
0x1a7: {  	_ =	shalt  }

</sc_bundles>
